<compile_context>
chip_gen: v7x
topology: tpu7x:2x2x1
jax: 0.10.2.dev20260603
libtpu: 0.0.44.dev20260713+nightly
codegen_flags: <defaults>
</compile_context>

<pallas_src>
import functools

import jax
import jax.numpy as jnp
from jax import lax
from jax.experimental import pallas as pl
from jax.experimental.pallas import tpu as pltpu
from jax.experimental.pallas import tpu_sc as plsc

D = 128
CH = 64
DEPTH = 7
NC = 2
NS = 16
NW = NC * NS
L = 16
G = CH // L


def _sc_dot_gather(n_edges):
    assert n_edges % (DEPTH * CH * NW) == 0
    n_chunks = n_edges // (CH * NW)
    kah = DEPTH - 1

    mesh = plsc.VectorSubcoreMesh(core_axis_name="c", subcore_axis_name="s")

    @functools.partial(
        pl.kernel,
        mesh=mesh,
        compiler_params=pltpu.CompilerParams(needs_layout_passes=False),
        out_type=jax.ShapeDtypeStruct((n_edges,), jnp.float32),
        scratch_types=(
            [pltpu.VMEM((CH, D), jnp.float32) for _ in range(2 * DEPTH)]
            + [pltpu.VMEM((CH,), jnp.int32) for _ in range(2 * DEPTH)]
            + [pltpu.VMEM((CH,), jnp.float32) for _ in range(DEPTH)]
            + [pltpu.SemaphoreType.DMA for _ in range(4 * DEPTH)]
        ),
    )
    def k(xu, xb, iu, ib, out, *bufs):
        ru = list(bufs[0:DEPTH])
        rb = list(bufs[DEPTH:2 * DEPTH])
        ivu = list(bufs[2 * DEPTH:3 * DEPTH])
        ivb = list(bufs[3 * DEPTH:4 * DEPTH])
        ov = list(bufs[4 * DEPTH:5 * DEPTH])
        sems = bufs[5 * DEPTH:]
        su = list(sems[0:DEPTH])
        sb = list(sems[DEPTH:2 * DEPTH])
        qu = list(sems[2 * DEPTH:3 * DEPTH])
        qb = list(sems[3 * DEPTH:4 * DEPTH])

        wid = lax.axis_index("s") * NC + lax.axis_index("c")
        wbase = wid * n_chunks * CH
        iota = lax.iota(jnp.int32, L)
        rids = [g * L + iota for g in range(G)]

        def idx_copies(c, r):
            pltpu.make_async_copy(iu.at[pl.ds(wbase + c * CH, CH)], ivu[r], qu[r]).start()
            pltpu.make_async_copy(ib.at[pl.ds(wbase + c * CH, CH)], ivb[r], qb[r]).start()

        def wait_idx(c, r):
            pltpu.make_async_copy(iu.at[pl.ds(wbase + c * CH, CH)], ivu[r], qu[r]).wait()
            pltpu.make_async_copy(ib.at[pl.ds(wbase + c * CH, CH)], ivb[r], qb[r]).wait()

        def gathers(r):
            pltpu.make_async_copy(xu.at[ivu[r]], ru[r], su[r]).start()
            pltpu.make_async_copy(xb.at[ivb[r]], rb[r], sb[r]).start()

        def wait_gathers(r):
            pltpu.make_async_copy(xu.at[ivu[r]], ru[r], su[r]).wait()
            pltpu.make_async_copy(xb.at[ivb[r]], rb[r], sb[r]).wait()

        for c in range(kah + 1):
            idx_copies(c, c % DEPTH)
        for c in range(kah):
            wait_idx(c, c % DEPTH)
            gathers(c % DEPTH)

        def do_chunk(c, r):
            @pl.when(c + kah < n_chunks)
            def _():
                wait_idx(c + kah, (r + kah) % DEPTH)
                gathers((r + kah) % DEPTH)

            @pl.when(c + kah + 1 < n_chunks)
            def _():
                idx_copies(c + kah + 1, (r + kah + 1) % DEPTH)

            wait_gathers(r)

            def dbody(dd, accs):
                col = (iota + dd) & (D - 1)
                return tuple(
                    accs[g]
                    + plsc.load_gather(ru[r], [rids[g], col])
                    * plsc.load_gather(rb[r], [rids[g], col])
                    for g in range(G)
                )

            zero = jnp.zeros((L,), jnp.float32)
            accs = lax.fori_loop(0, D, dbody, tuple(zero for _ in range(G)))
            for g in range(G):
                ov[r][pl.ds(g * L, L)] = accs[g]
            pltpu.sync_copy(ov[r], out.at[pl.ds(wbase + c * CH, CH)])

        def ring_body(i, carry):
            for b in range(DEPTH):
                do_chunk(i * DEPTH + b, b)
            return carry

        lax.fori_loop(0, n_chunks // DEPTH, ring_body, 0)

    return k


def kernel(x_user, x_book, edge_label_index):
    eli = edge_label_index.astype(jnp.int32)
    n = eli.shape[1]
    step = DEPTH * CH * NW
    n_pad = ((n + step - 1) // step) * step
    iu = jnp.pad(eli[0], (0, n_pad - n))
    ib = jnp.pad(eli[1], (0, n_pad - n))
    out = _sc_dot_gather(n_pad)(x_user, x_book, iu, ib)
    return out[:n]

# --- scband reference (transcript-rebuilt; emitter-appended) ---
"""Pipeline reference for scband-classifier-1838246003033 (READ-ONLY COPY).

The authoritative reference and input builder live on the scoring server;
editing this copy changes nothing except your own understanding.
"""

import jax, jax.numpy as jnp
import numpy as np

def setup_inputs(seed: int = 0) -> dict:
    key = jax.random.key(seed)
    k1, k2, k3 = jax.random.split(key, 3)
    x_user = jax.random.normal(k1, (100000, 128), dtype=jnp.float32)
    x_book = jax.random.normal(k2, (100000, 128), dtype=jnp.float32)
    edge_label_index = jax.random.randint(k3, (2, 500000), 0, 100000, dtype=jnp.int64)
    return {"x_user": x_user, "x_book": x_book, "edge_label_index": edge_label_index}

def reference(x_user, x_book, edge_label_index):
    edge_feat_user = jnp.take(x_user, edge_label_index[0], axis=0)
    edge_feat_book = jnp.take(x_book, edge_label_index[1], axis=0)
    return (edge_feat_user * edge_feat_book).sum(axis=-1)

if __name__ == "__main__":
    import jax
    _d = setup_inputs()
    print(jax.jit(kernel)(*tuple(_d.values())))

</pallas_src>

<mosaic_0001>
#map = affine_map<(d0, d1) -> (0, 0)>
#map1 = affine_map<(d0, d1) -> (0)>
module attributes {stable_mosaic.version = 14 : i64} {
  func.func @k(%arg0: i32, %arg1: i32, %arg2: memref<100000x128xf32, #tpu.memory_space<hbm>>, %arg3: memref<100000x128xf32, #tpu.memory_space<hbm>>, %arg4: memref<501760xi32, #tpu.memory_space<hbm>>, %arg5: memref<501760xi32, #tpu.memory_space<hbm>>, %arg6: memref<501760xf32, #tpu.memory_space<hbm>>, %arg7: memref<64x128xf32, #tpu.memory_space<vmem>>, %arg8: memref<64x128xf32, #tpu.memory_space<vmem>>, %arg9: memref<64x128xf32, #tpu.memory_space<vmem>>, %arg10: memref<64x128xf32, #tpu.memory_space<vmem>>, %arg11: memref<64x128xf32, #tpu.memory_space<vmem>>, %arg12: memref<64x128xf32, #tpu.memory_space<vmem>>, %arg13: memref<64x128xf32, #tpu.memory_space<vmem>>, %arg14: memref<64x128xf32, #tpu.memory_space<vmem>>, %arg15: memref<64x128xf32, #tpu.memory_space<vmem>>, %arg16: memref<64x128xf32, #tpu.memory_space<vmem>>, %arg17: memref<64x128xf32, #tpu.memory_space<vmem>>, %arg18: memref<64x128xf32, #tpu.memory_space<vmem>>, %arg19: memref<64x128xf32, #tpu.memory_space<vmem>>, %arg20: memref<64x128xf32, #tpu.memory_space<vmem>>, %arg21: memref<64xi32, #tpu.memory_space<vmem>>, %arg22: memref<64xi32, #tpu.memory_space<vmem>>, %arg23: memref<64xi32, #tpu.memory_space<vmem>>, %arg24: memref<64xi32, #tpu.memory_space<vmem>>, %arg25: memref<64xi32, #tpu.memory_space<vmem>>, %arg26: memref<64xi32, #tpu.memory_space<vmem>>, %arg27: memref<64xi32, #tpu.memory_space<vmem>>, %arg28: memref<64xi32, #tpu.memory_space<vmem>>, %arg29: memref<64xi32, #tpu.memory_space<vmem>>, %arg30: memref<64xi32, #tpu.memory_space<vmem>>, %arg31: memref<64xi32, #tpu.memory_space<vmem>>, %arg32: memref<64xi32, #tpu.memory_space<vmem>>, %arg33: memref<64xi32, #tpu.memory_space<vmem>>, %arg34: memref<64xi32, #tpu.memory_space<vmem>>, %arg35: memref<64xf32, #tpu.memory_space<vmem>>, %arg36: memref<64xf32, #tpu.memory_space<vmem>>, %arg37: memref<64xf32, #tpu.memory_space<vmem>>, %arg38: memref<64xf32, #tpu.memory_space<vmem>>, %arg39: memref<64xf32, #tpu.memory_space<vmem>>, %arg40: memref<64xf32, #tpu.memory_space<vmem>>, %arg41: memref<64xf32, #tpu.memory_space<vmem>>, %arg42: memref<!tpu.dma_semaphore, #tpu.memory_space<semaphore_mem>>, %arg43: memref<!tpu.dma_semaphore, #tpu.memory_space<semaphore_mem>>, %arg44: memref<!tpu.dma_semaphore, #tpu.memory_space<semaphore_mem>>, %arg45: memref<!tpu.dma_semaphore, #tpu.memory_space<semaphore_mem>>, %arg46: memref<!tpu.dma_semaphore, #tpu.memory_space<semaphore_mem>>, %arg47: memref<!tpu.dma_semaphore, #tpu.memory_space<semaphore_mem>>, %arg48: memref<!tpu.dma_semaphore, #tpu.memory_space<semaphore_mem>>, %arg49: memref<!tpu.dma_semaphore, #tpu.memory_space<semaphore_mem>>, %arg50: memref<!tpu.dma_semaphore, #tpu.memory_space<semaphore_mem>>, %arg51: memref<!tpu.dma_semaphore, #tpu.memory_space<semaphore_mem>>, %arg52: memref<!tpu.dma_semaphore, #tpu.memory_space<semaphore_mem>>, %arg53: memref<!tpu.dma_semaphore, #tpu.memory_space<semaphore_mem>>, %arg54: memref<!tpu.dma_semaphore, #tpu.memory_space<semaphore_mem>>, %arg55: memref<!tpu.dma_semaphore, #tpu.memory_space<semaphore_mem>>, %arg56: memref<!tpu.dma_semaphore, #tpu.memory_space<semaphore_mem>>, %arg57: memref<!tpu.dma_semaphore, #tpu.memory_space<semaphore_mem>>, %arg58: memref<!tpu.dma_semaphore, #tpu.memory_space<semaphore_mem>>, %arg59: memref<!tpu.dma_semaphore, #tpu.memory_space<semaphore_mem>>, %arg60: memref<!tpu.dma_semaphore, #tpu.memory_space<semaphore_mem>>, %arg61: memref<!tpu.dma_semaphore, #tpu.memory_space<semaphore_mem>>, %arg62: memref<!tpu.dma_semaphore, #tpu.memory_space<semaphore_mem>>, %arg63: memref<!tpu.dma_semaphore, #tpu.memory_space<semaphore_mem>>, %arg64: memref<!tpu.dma_semaphore, #tpu.memory_space<semaphore_mem>>, %arg65: memref<!tpu.dma_semaphore, #tpu.memory_space<semaphore_mem>>, %arg66: memref<!tpu.dma_semaphore, #tpu.memory_space<semaphore_mem>>, %arg67: memref<!tpu.dma_semaphore, #tpu.memory_space<semaphore_mem>>, %arg68: memref<!tpu.dma_semaphore, #tpu.memory_space<semaphore_mem>>, %arg69: memref<!tpu.dma_semaphore, #tpu.memory_space<semaphore_mem>>) attributes {dimension_semantics = [#tpu.dimension_semantics<core_parallel>, #tpu.dimension_semantics<subcore_parallel>], iteration_bounds = array<i64: 2, 16>, scalar_prefetch = 0 : i64, scratch_operands = 63 : i64, tpu.core_type = #tpu.core_type<sc_vector_subcore>, window_params = [{transform_indices = #map}, {transform_indices = #map}, {transform_indices = #map1}, {transform_indices = #map1}, {transform_indices = #map1}]} {
    %mul3A = arith.constant 2 : i32
    %mul3A_0 = arith.muli %arg1, %mul3A : i32
    %add3A = arith.addi %mul3A_0, %arg0 : i32
    %mul3A_1 = arith.constant 245 : i32
    %mul3A_2 = arith.muli %add3A, %mul3A_1 : i32
    %mul3A_3 = arith.constant 64 : i32
    %mul3A_4 = arith.muli %mul3A_2, %mul3A_3 : i32
    %iota3A = tpu.iota {dimensions = array<i32: 0>} : vector<16xi32>
    %add3A_5 = arith.constant 0 : i32
    %add3A_6 = vector.broadcast %add3A_5 : i32 to vector<16xi32>
    %add3A_7 = arith.addi %add3A_6, %iota3A : vector<16xi32>
    %add3A_8 = arith.constant 16 : i32
    %add3A_9 = vector.broadcast %add3A_8 : i32 to vector<16xi32>
    %add3A_10 = arith.addi %add3A_9, %iota3A : vector<16xi32>
    %add3A_11 = arith.constant 32 : i32
    %add3A_12 = vector.broadcast %add3A_11 : i32 to vector<16xi32>
    %add3A_13 = arith.addi %add3A_12, %iota3A : vector<16xi32>
    %add3A_14 = arith.constant 48 : i32
    %add3A_15 = vector.broadcast %add3A_14 : i32 to vector<16xi32>
    %add3A_16 = arith.addi %add3A_15, %iota3A : vector<16xi32>
    %add3A_17 = arith.constant 0 : i32
    %add3A_18 = arith.addi %mul3A_4, %add3A_17 : i32
    %dma_start3A = tpu.memref_slice %arg4[%add3A_18] : memref<501760xi32, #tpu.memory_space<hbm>> -> memref<64xi32, #tpu.memory_space<hbm>>
    %dma_start3A_19 = tpu.memref_slice %arg4[%add3A_18] : memref<501760xi32, #tpu.memory_space<hbm>> -> memref<64xi32, #tpu.memory_space<hbm>>
    tpu.enqueue_dma source(%dma_start3A_19 : memref<64xi32, #tpu.memory_space<hbm>>) target(%arg21 : memref<64xi32, #tpu.memory_space<vmem>>) target_semaphore(%arg56 : memref<!tpu.dma_semaphore, #tpu.memory_space<semaphore_mem>>)
    %add3A_20 = arith.constant 0 : i32
    %add3A_21 = arith.addi %mul3A_4, %add3A_20 : i32
    %dma_start3A_22 = tpu.memref_slice %arg5[%add3A_21] : memref<501760xi32, #tpu.memory_space<hbm>> -> memref<64xi32, #tpu.memory_space<hbm>>
    %dma_start3A_23 = tpu.memref_slice %arg5[%add3A_21] : memref<501760xi32, #tpu.memory_space<hbm>> -> memref<64xi32, #tpu.memory_space<hbm>>
    tpu.enqueue_dma source(%dma_start3A_23 : memref<64xi32, #tpu.memory_space<hbm>>) target(%arg28 : memref<64xi32, #tpu.memory_space<vmem>>) target_semaphore(%arg63 : memref<!tpu.dma_semaphore, #tpu.memory_space<semaphore_mem>>)
    %add3A_24 = arith.constant 64 : i32
    %add3A_25 = arith.addi %mul3A_4, %add3A_24 : i32
    %dma_start3A_26 = tpu.memref_slice %arg4[%add3A_25] : memref<501760xi32, #tpu.memory_space<hbm>> -> memref<64xi32, #tpu.memory_space<hbm>>
    %dma_start3A_27 = tpu.memref_slice %arg4[%add3A_25] : memref<501760xi32, #tpu.memory_space<hbm>> -> memref<64xi32, #tpu.memory_space<hbm>>
    tpu.enqueue_dma source(%dma_start3A_27 : memref<64xi32, #tpu.memory_space<hbm>>) target(%arg22 : memref<64xi32, #tpu.memory_space<vmem>>) target_semaphore(%arg57 : memref<!tpu.dma_semaphore, #tpu.memory_space<semaphore_mem>>)
    %add3A_28 = arith.constant 64 : i32
    %add3A_29 = arith.addi %mul3A_4, %add3A_28 : i32
    %dma_start3A_30 = tpu.memref_slice %arg5[%add3A_29] : memref<501760xi32, #tpu.memory_space<hbm>> -> memref<64xi32, #tpu.memory_space<hbm>>
    %dma_start3A_31 = tpu.memref_slice %arg5[%add3A_29] : memref<501760xi32, #tpu.memory_space<hbm>> -> memref<64xi32, #tpu.memory_space<hbm>>
    tpu.enqueue_dma source(%dma_start3A_31 : memref<64xi32, #tpu.memory_space<hbm>>) target(%arg29 : memref<64xi32, #tpu.memory_space<vmem>>) target_semaphore(%arg64 : memref<!tpu.dma_semaphore, #tpu.memory_space<semaphore_mem>>)
    %add3A_32 = arith.constant 128 : i32
    %add3A_33 = arith.addi %mul3A_4, %add3A_32 : i32
    %dma_start3A_34 = tpu.memref_slice %arg4[%add3A_33] : memref<501760xi32, #tpu.memory_space<hbm>> -> memref<64xi32, #tpu.memory_space<hbm>>
    %dma_start3A_35 = tpu.memref_slice %arg4[%add3A_33] : memref<501760xi32, #tpu.memory_space<hbm>> -> memref<64xi32, #tpu.memory_space<hbm>>
    tpu.enqueue_dma source(%dma_start3A_35 : memref<64xi32, #tpu.memory_space<hbm>>) target(%arg23 : memref<64xi32, #tpu.memory_space<vmem>>) target_semaphore(%arg58 : memref<!tpu.dma_semaphore, #tpu.memory_space<semaphore_mem>>)
    %add3A_36 = arith.constant 128 : i32
    %add3A_37 = arith.addi %mul3A_4, %add3A_36 : i32
    %dma_start3A_38 = tpu.memref_slice %arg5[%add3A_37] : memref<501760xi32, #tpu.memory_space<hbm>> -> memref<64xi32, #tpu.memory_space<hbm>>
    %dma_start3A_39 = tpu.memref_slice %arg5[%add3A_37] : memref<501760xi32, #tpu.memory_space<hbm>> -> memref<64xi32, #tpu.memory_space<hbm>>
    tpu.enqueue_dma source(%dma_start3A_39 : memref<64xi32, #tpu.memory_space<hbm>>) target(%arg30 : memref<64xi32, #tpu.memory_space<vmem>>) target_semaphore(%arg65 : memref<!tpu.dma_semaphore, #tpu.memory_space<semaphore_mem>>)
    %add3A_40 = arith.constant 192 : i32
    %add3A_41 = arith.addi %mul3A_4, %add3A_40 : i32
    %dma_start3A_42 = tpu.memref_slice %arg4[%add3A_41] : memref<501760xi32, #tpu.memory_space<hbm>> -> memref<64xi32, #tpu.memory_space<hbm>>
    %dma_start3A_43 = tpu.memref_slice %arg4[%add3A_41] : memref<501760xi32, #tpu.memory_space<hbm>> -> memref<64xi32, #tpu.memory_space<hbm>>
    tpu.enqueue_dma source(%dma_start3A_43 : memref<64xi32, #tpu.memory_space<hbm>>) target(%arg24 : memref<64xi32, #tpu.memory_space<vmem>>) target_semaphore(%arg59 : memref<!tpu.dma_semaphore, #tpu.memory_space<semaphore_mem>>)
    %add3A_44 = arith.constant 192 : i32
    %add3A_45 = arith.addi %mul3A_4, %add3A_44 : i32
    %dma_start3A_46 = tpu.memref_slice %arg5[%add3A_45] : memref<501760xi32, #tpu.memory_space<hbm>> -> memref<64xi32, #tpu.memory_space<hbm>>
    %dma_start3A_47 = tpu.memref_slice %arg5[%add3A_45] : memref<501760xi32, #tpu.memory_space<hbm>> -> memref<64xi32, #tpu.memory_space<hbm>>
    tpu.enqueue_dma source(%dma_start3A_47 : memref<64xi32, #tpu.memory_space<hbm>>) target(%arg31 : memref<64xi32, #tpu.memory_space<vmem>>) target_semaphore(%arg66 : memref<!tpu.dma_semaphore, #tpu.memory_space<semaphore_mem>>)
    %add3A_48 = arith.constant 256 : i32
    %add3A_49 = arith.addi %mul3A_4, %add3A_48 : i32
    %dma_start3A_50 = tpu.memref_slice %arg4[%add3A_49] : memref<501760xi32, #tpu.memory_space<hbm>> -> memref<64xi32, #tpu.memory_space<hbm>>
    %dma_start3A_51 = tpu.memref_slice %arg4[%add3A_49] : memref<501760xi32, #tpu.memory_space<hbm>> -> memref<64xi32, #tpu.memory_space<hbm>>
    tpu.enqueue_dma source(%dma_start3A_51 : memref<64xi32, #tpu.memory_space<hbm>>) target(%arg25 : memref<64xi32, #tpu.memory_space<vmem>>) target_semaphore(%arg60 : memref<!tpu.dma_semaphore, #tpu.memory_space<semaphore_mem>>)
    %add3A_52 = arith.constant 256 : i32
    %add3A_53 = arith.addi %mul3A_4, %add3A_52 : i32
    %dma_start3A_54 = tpu.memref_slice %arg5[%add3A_53] : memref<501760xi32, #tpu.memory_space<hbm>> -> memref<64xi32, #tpu.memory_space<hbm>>
    %dma_start3A_55 = tpu.memref_slice %arg5[%add3A_53] : memref<501760xi32, #tpu.memory_space<hbm>> -> memref<64xi32, #tpu.memory_space<hbm>>
    tpu.enqueue_dma source(%dma_start3A_55 : memref<64xi32, #tpu.memory_space<hbm>>) target(%arg32 : memref<64xi32, #tpu.memory_space<vmem>>) target_semaphore(%arg67 : memref<!tpu.dma_semaphore, #tpu.memory_space<semaphore_mem>>)
    %add3A_56 = arith.constant 320 : i32
    %add3A_57 = arith.addi %mul3A_4, %add3A_56 : i32
    %dma_start3A_58 = tpu.memref_slice %arg4[%add3A_57] : memref<501760xi32, #tpu.memory_space<hbm>> -> memref<64xi32, #tpu.memory_space<hbm>>
    %dma_start3A_59 = tpu.memref_slice %arg4[%add3A_57] : memref<501760xi32, #tpu.memory_space<hbm>> -> memref<64xi32, #tpu.memory_space<hbm>>
    tpu.enqueue_dma source(%dma_start3A_59 : memref<64xi32, #tpu.memory_space<hbm>>) target(%arg26 : memref<64xi32, #tpu.memory_space<vmem>>) target_semaphore(%arg61 : memref<!tpu.dma_semaphore, #tpu.memory_space<semaphore_mem>>)
    %add3A_60 = arith.constant 320 : i32
    %add3A_61 = arith.addi %mul3A_4, %add3A_60 : i32
    %dma_start3A_62 = tpu.memref_slice %arg5[%add3A_61] : memref<501760xi32, #tpu.memory_space<hbm>> -> memref<64xi32, #tpu.memory_space<hbm>>
    %dma_start3A_63 = tpu.memref_slice %arg5[%add3A_61] : memref<501760xi32, #tpu.memory_space<hbm>> -> memref<64xi32, #tpu.memory_space<hbm>>
    tpu.enqueue_dma source(%dma_start3A_63 : memref<64xi32, #tpu.memory_space<hbm>>) target(%arg33 : memref<64xi32, #tpu.memory_space<vmem>>) target_semaphore(%arg68 : memref<!tpu.dma_semaphore, #tpu.memory_space<semaphore_mem>>)
    %add3A_64 = arith.constant 384 : i32
    %add3A_65 = arith.addi %mul3A_4, %add3A_64 : i32
    %dma_start3A_66 = tpu.memref_slice %arg4[%add3A_65] : memref<501760xi32, #tpu.memory_space<hbm>> -> memref<64xi32, #tpu.memory_space<hbm>>
    %dma_start3A_67 = tpu.memref_slice %arg4[%add3A_65] : memref<501760xi32, #tpu.memory_space<hbm>> -> memref<64xi32, #tpu.memory_space<hbm>>
    tpu.enqueue_dma source(%dma_start3A_67 : memref<64xi32, #tpu.memory_space<hbm>>) target(%arg27 : memref<64xi32, #tpu.memory_space<vmem>>) target_semaphore(%arg62 : memref<!tpu.dma_semaphore, #tpu.memory_space<semaphore_mem>>)
    %add3A_68 = arith.constant 384 : i32
    %add3A_69 = arith.addi %mul3A_4, %add3A_68 : i32
    %dma_start3A_70 = tpu.memref_slice %arg5[%add3A_69] : memref<501760xi32, #tpu.memory_space<hbm>> -> memref<64xi32, #tpu.memory_space<hbm>>
    %dma_start3A_71 = tpu.memref_slice %arg5[%add3A_69] : memref<501760xi32, #tpu.memory_space<hbm>> -> memref<64xi32, #tpu.memory_space<hbm>>
    tpu.enqueue_dma source(%dma_start3A_71 : memref<64xi32, #tpu.memory_space<hbm>>) target(%arg34 : memref<64xi32, #tpu.memory_space<vmem>>) target_semaphore(%arg69 : memref<!tpu.dma_semaphore, #tpu.memory_space<semaphore_mem>>)
    %add3A_72 = arith.constant 0 : i32
    %add3A_73 = arith.addi %mul3A_4, %add3A_72 : i32
    %dma_wait3A = tpu.memref_slice %arg4[%add3A_73] : memref<501760xi32, #tpu.memory_space<hbm>> -> memref<64xi32, #tpu.memory_space<hbm>>
    %dma_wait3A_74 = tpu.memref_slice %arg4[%add3A_73] : memref<501760xi32, #tpu.memory_space<hbm>> -> memref<64xi32, #tpu.memory_space<hbm>>
    tpu.wait_dma2 semaphore(%arg56 : memref<!tpu.dma_semaphore, #tpu.memory_space<semaphore_mem>>) src(%dma_wait3A_74 : memref<64xi32, #tpu.memory_space<hbm>>) dst(%arg21 : memref<64xi32, #tpu.memory_space<vmem>>)
    %add3A_75 = arith.constant 0 : i32
    %add3A_76 = arith.addi %mul3A_4, %add3A_75 : i32
    %dma_wait3A_77 = tpu.memref_slice %arg5[%add3A_76] : memref<501760xi32, #tpu.memory_space<hbm>> -> memref<64xi32, #tpu.memory_space<hbm>>
    %dma_wait3A_78 = tpu.memref_slice %arg5[%add3A_76] : memref<501760xi32, #tpu.memory_space<hbm>> -> memref<64xi32, #tpu.memory_space<hbm>>
    tpu.wait_dma2 semaphore(%arg63 : memref<!tpu.dma_semaphore, #tpu.memory_space<semaphore_mem>>) src(%dma_wait3A_78 : memref<64xi32, #tpu.memory_space<hbm>>) dst(%arg28 : memref<64xi32, #tpu.memory_space<vmem>>)
    %dma_start3A_79 = arith.constant 0 : i32
    %dma_start3A_80 = arith.constant 0 : i32
    %dma_start3A_81 = tpu.memref_slice %arg2[%dma_start3A_79, %dma_start3A_80] : memref<100000x128xf32, #tpu.memory_space<hbm>> -> memref<100000x128xf32, #tpu.memory_space<hbm>>
    tpu.enqueue_indirect_dma source(%dma_start3A_81 : memref<100000x128xf32, #tpu.memory_space<hbm>>) target(%arg7 : memref<64x128xf32, #tpu.memory_space<vmem>>) offsets(%arg21 : memref<64xi32, #tpu.memory_space<vmem>>) semaphore(%arg42 : memref<!tpu.dma_semaphore, #tpu.memory_space<semaphore_mem>>)
    %dma_start3A_82 = arith.constant 0 : i32
    %dma_start3A_83 = arith.constant 0 : i32
    %dma_start3A_84 = tpu.memref_slice %arg3[%dma_start3A_82, %dma_start3A_83] : memref<100000x128xf32, #tpu.memory_space<hbm>> -> memref<100000x128xf32, #tpu.memory_space<hbm>>
    tpu.enqueue_indirect_dma source(%dma_start3A_84 : memref<100000x128xf32, #tpu.memory_space<hbm>>) target(%arg14 : memref<64x128xf32, #tpu.memory_space<vmem>>) offsets(%arg28 : memref<64xi32, #tpu.memory_space<vmem>>) semaphore(%arg49 : memref<!tpu.dma_semaphore, #tpu.memory_space<semaphore_mem>>)
    %add3A_85 = arith.constant 64 : i32
    %add3A_86 = arith.addi %mul3A_4, %add3A_85 : i32
    %dma_wait3A_87 = tpu.memref_slice %arg4[%add3A_86] : memref<501760xi32, #tpu.memory_space<hbm>> -> memref<64xi32, #tpu.memory_space<hbm>>
    %dma_wait3A_88 = tpu.memref_slice %arg4[%add3A_86] : memref<501760xi32, #tpu.memory_space<hbm>> -> memref<64xi32, #tpu.memory_space<hbm>>
    tpu.wait_dma2 semaphore(%arg57 : memref<!tpu.dma_semaphore, #tpu.memory_space<semaphore_mem>>) src(%dma_wait3A_88 : memref<64xi32, #tpu.memory_space<hbm>>) dst(%arg22 : memref<64xi32, #tpu.memory_space<vmem>>)
    %add3A_89 = arith.constant 64 : i32
    %add3A_90 = arith.addi %mul3A_4, %add3A_89 : i32
    %dma_wait3A_91 = tpu.memref_slice %arg5[%add3A_90] : memref<501760xi32, #tpu.memory_space<hbm>> -> memref<64xi32, #tpu.memory_space<hbm>>
    %dma_wait3A_92 = tpu.memref_slice %arg5[%add3A_90] : memref<501760xi32, #tpu.memory_space<hbm>> -> memref<64xi32, #tpu.memory_space<hbm>>
    tpu.wait_dma2 semaphore(%arg64 : memref<!tpu.dma_semaphore, #tpu.memory_space<semaphore_mem>>) src(%dma_wait3A_92 : memref<64xi32, #tpu.memory_space<hbm>>) dst(%arg29 : memref<64xi32, #tpu.memory_space<vmem>>)
    %dma_start3A_93 = arith.constant 0 : i32
    %dma_start3A_94 = arith.constant 0 : i32
    %dma_start3A_95 = tpu.memref_slice %arg2[%dma_start3A_93, %dma_start3A_94] : memref<100000x128xf32, #tpu.memory_space<hbm>> -> memref<100000x128xf32, #tpu.memory_space<hbm>>
    tpu.enqueue_indirect_dma source(%dma_start3A_95 : memref<100000x128xf32, #tpu.memory_space<hbm>>) target(%arg8 : memref<64x128xf32, #tpu.memory_space<vmem>>) offsets(%arg22 : memref<64xi32, #tpu.memory_space<vmem>>) semaphore(%arg43 : memref<!tpu.dma_semaphore, #tpu.memory_space<semaphore_mem>>)
    %dma_start3A_96 = arith.constant 0 : i32
    %dma_start3A_97 = arith.constant 0 : i32
    %dma_start3A_98 = tpu.memref_slice %arg3[%dma_start3A_96, %dma_start3A_97] : memref<100000x128xf32, #tpu.memory_space<hbm>> -> memref<100000x128xf32, #tpu.memory_space<hbm>>
    tpu.enqueue_indirect_dma source(%dma_start3A_98 : memref<100000x128xf32, #tpu.memory_space<hbm>>) target(%arg15 : memref<64x128xf32, #tpu.memory_space<vmem>>) offsets(%arg29 : memref<64xi32, #tpu.memory_space<vmem>>) semaphore(%arg50 : memref<!tpu.dma_semaphore, #tpu.memory_space<semaphore_mem>>)
    %add3A_99 = arith.constant 128 : i32
    %add3A_100 = arith.addi %mul3A_4, %add3A_99 : i32
    %dma_wait3A_101 = tpu.memref_slice %arg4[%add3A_100] : memref<501760xi32, #tpu.memory_space<hbm>> -> memref<64xi32, #tpu.memory_space<hbm>>
    %dma_wait3A_102 = tpu.memref_slice %arg4[%add3A_100] : memref<501760xi32, #tpu.memory_space<hbm>> -> memref<64xi32, #tpu.memory_space<hbm>>
    tpu.wait_dma2 semaphore(%arg58 : memref<!tpu.dma_semaphore, #tpu.memory_space<semaphore_mem>>) src(%dma_wait3A_102 : memref<64xi32, #tpu.memory_space<hbm>>) dst(%arg23 : memref<64xi32, #tpu.memory_space<vmem>>)
    %add3A_103 = arith.constant 128 : i32
    %add3A_104 = arith.addi %mul3A_4, %add3A_103 : i32
    %dma_wait3A_105 = tpu.memref_slice %arg5[%add3A_104] : memref<501760xi32, #tpu.memory_space<hbm>> -> memref<64xi32, #tpu.memory_space<hbm>>
    %dma_wait3A_106 = tpu.memref_slice %arg5[%add3A_104] : memref<501760xi32, #tpu.memory_space<hbm>> -> memref<64xi32, #tpu.memory_space<hbm>>
    tpu.wait_dma2 semaphore(%arg65 : memref<!tpu.dma_semaphore, #tpu.memory_space<semaphore_mem>>) src(%dma_wait3A_106 : memref<64xi32, #tpu.memory_space<hbm>>) dst(%arg30 : memref<64xi32, #tpu.memory_space<vmem>>)
    %dma_start3A_107 = arith.constant 0 : i32
    %dma_start3A_108 = arith.constant 0 : i32
    %dma_start3A_109 = tpu.memref_slice %arg2[%dma_start3A_107, %dma_start3A_108] : memref<100000x128xf32, #tpu.memory_space<hbm>> -> memref<100000x128xf32, #tpu.memory_space<hbm>>
    tpu.enqueue_indirect_dma source(%dma_start3A_109 : memref<100000x128xf32, #tpu.memory_space<hbm>>) target(%arg9 : memref<64x128xf32, #tpu.memory_space<vmem>>) offsets(%arg23 : memref<64xi32, #tpu.memory_space<vmem>>) semaphore(%arg44 : memref<!tpu.dma_semaphore, #tpu.memory_space<semaphore_mem>>)
    %dma_start3A_110 = arith.constant 0 : i32
    %dma_start3A_111 = arith.constant 0 : i32
    %dma_start3A_112 = tpu.memref_slice %arg3[%dma_start3A_110, %dma_start3A_111] : memref<100000x128xf32, #tpu.memory_space<hbm>> -> memref<100000x128xf32, #tpu.memory_space<hbm>>
    tpu.enqueue_indirect_dma source(%dma_start3A_112 : memref<100000x128xf32, #tpu.memory_space<hbm>>) target(%arg16 : memref<64x128xf32, #tpu.memory_space<vmem>>) offsets(%arg30 : memref<64xi32, #tpu.memory_space<vmem>>) semaphore(%arg51 : memref<!tpu.dma_semaphore, #tpu.memory_space<semaphore_mem>>)
    %add3A_113 = arith.constant 192 : i32
    %add3A_114 = arith.addi %mul3A_4, %add3A_113 : i32
    %dma_wait3A_115 = tpu.memref_slice %arg4[%add3A_114] : memref<501760xi32, #tpu.memory_space<hbm>> -> memref<64xi32, #tpu.memory_space<hbm>>
    %dma_wait3A_116 = tpu.memref_slice %arg4[%add3A_114] : memref<501760xi32, #tpu.memory_space<hbm>> -> memref<64xi32, #tpu.memory_space<hbm>>
    tpu.wait_dma2 semaphore(%arg59 : memref<!tpu.dma_semaphore, #tpu.memory_space<semaphore_mem>>) src(%dma_wait3A_116 : memref<64xi32, #tpu.memory_space<hbm>>) dst(%arg24 : memref<64xi32, #tpu.memory_space<vmem>>)
    %add3A_117 = arith.constant 192 : i32
    %add3A_118 = arith.addi %mul3A_4, %add3A_117 : i32
    %dma_wait3A_119 = tpu.memref_slice %arg5[%add3A_118] : memref<501760xi32, #tpu.memory_space<hbm>> -> memref<64xi32, #tpu.memory_space<hbm>>
    %dma_wait3A_120 = tpu.memref_slice %arg5[%add3A_118] : memref<501760xi32, #tpu.memory_space<hbm>> -> memref<64xi32, #tpu.memory_space<hbm>>
    tpu.wait_dma2 semaphore(%arg66 : memref<!tpu.dma_semaphore, #tpu.memory_space<semaphore_mem>>) src(%dma_wait3A_120 : memref<64xi32, #tpu.memory_space<hbm>>) dst(%arg31 : memref<64xi32, #tpu.memory_space<vmem>>)
    %dma_start3A_121 = arith.constant 0 : i32
    %dma_start3A_122 = arith.constant 0 : i32
    %dma_start3A_123 = tpu.memref_slice %arg2[%dma_start3A_121, %dma_start3A_122] : memref<100000x128xf32, #tpu.memory_space<hbm>> -> memref<100000x128xf32, #tpu.memory_space<hbm>>
    tpu.enqueue_indirect_dma source(%dma_start3A_123 : memref<100000x128xf32, #tpu.memory_space<hbm>>) target(%arg10 : memref<64x128xf32, #tpu.memory_space<vmem>>) offsets(%arg24 : memref<64xi32, #tpu.memory_space<vmem>>) semaphore(%arg45 : memref<!tpu.dma_semaphore, #tpu.memory_space<semaphore_mem>>)
    %dma_start3A_124 = arith.constant 0 : i32
    %dma_start3A_125 = arith.constant 0 : i32
    %dma_start3A_126 = tpu.memref_slice %arg3[%dma_start3A_124, %dma_start3A_125] : memref<100000x128xf32, #tpu.memory_space<hbm>> -> memref<100000x128xf32, #tpu.memory_space<hbm>>
    tpu.enqueue_indirect_dma source(%dma_start3A_126 : memref<100000x128xf32, #tpu.memory_space<hbm>>) target(%arg17 : memref<64x128xf32, #tpu.memory_space<vmem>>) offsets(%arg31 : memref<64xi32, #tpu.memory_space<vmem>>) semaphore(%arg52 : memref<!tpu.dma_semaphore, #tpu.memory_space<semaphore_mem>>)
    %add3A_127 = arith.constant 256 : i32
    %add3A_128 = arith.addi %mul3A_4, %add3A_127 : i32
    %dma_wait3A_129 = tpu.memref_slice %arg4[%add3A_128] : memref<501760xi32, #tpu.memory_space<hbm>> -> memref<64xi32, #tpu.memory_space<hbm>>
    %dma_wait3A_130 = tpu.memref_slice %arg4[%add3A_128] : memref<501760xi32, #tpu.memory_space<hbm>> -> memref<64xi32, #tpu.memory_space<hbm>>
    tpu.wait_dma2 semaphore(%arg60 : memref<!tpu.dma_semaphore, #tpu.memory_space<semaphore_mem>>) src(%dma_wait3A_130 : memref<64xi32, #tpu.memory_space<hbm>>) dst(%arg25 : memref<64xi32, #tpu.memory_space<vmem>>)
    %add3A_131 = arith.constant 256 : i32
    %add3A_132 = arith.addi %mul3A_4, %add3A_131 : i32
    %dma_wait3A_133 = tpu.memref_slice %arg5[%add3A_132] : memref<501760xi32, #tpu.memory_space<hbm>> -> memref<64xi32, #tpu.memory_space<hbm>>
    %dma_wait3A_134 = tpu.memref_slice %arg5[%add3A_132] : memref<501760xi32, #tpu.memory_space<hbm>> -> memref<64xi32, #tpu.memory_space<hbm>>
    tpu.wait_dma2 semaphore(%arg67 : memref<!tpu.dma_semaphore, #tpu.memory_space<semaphore_mem>>) src(%dma_wait3A_134 : memref<64xi32, #tpu.memory_space<hbm>>) dst(%arg32 : memref<64xi32, #tpu.memory_space<vmem>>)
    %dma_start3A_135 = arith.constant 0 : i32
    %dma_start3A_136 = arith.constant 0 : i32
    %dma_start3A_137 = tpu.memref_slice %arg2[%dma_start3A_135, %dma_start3A_136] : memref<100000x128xf32, #tpu.memory_space<hbm>> -> memref<100000x128xf32, #tpu.memory_space<hbm>>
    tpu.enqueue_indirect_dma source(%dma_start3A_137 : memref<100000x128xf32, #tpu.memory_space<hbm>>) target(%arg11 : memref<64x128xf32, #tpu.memory_space<vmem>>) offsets(%arg25 : memref<64xi32, #tpu.memory_space<vmem>>) semaphore(%arg46 : memref<!tpu.dma_semaphore, #tpu.memory_space<semaphore_mem>>)
    %dma_start3A_138 = arith.constant 0 : i32
    %dma_start3A_139 = arith.constant 0 : i32
    %dma_start3A_140 = tpu.memref_slice %arg3[%dma_start3A_138, %dma_start3A_139] : memref<100000x128xf32, #tpu.memory_space<hbm>> -> memref<100000x128xf32, #tpu.memory_space<hbm>>
    tpu.enqueue_indirect_dma source(%dma_start3A_140 : memref<100000x128xf32, #tpu.memory_space<hbm>>) target(%arg18 : memref<64x128xf32, #tpu.memory_space<vmem>>) offsets(%arg32 : memref<64xi32, #tpu.memory_space<vmem>>) semaphore(%arg53 : memref<!tpu.dma_semaphore, #tpu.memory_space<semaphore_mem>>)
    %add3A_141 = arith.constant 320 : i32
    %add3A_142 = arith.addi %mul3A_4, %add3A_141 : i32
    %dma_wait3A_143 = tpu.memref_slice %arg4[%add3A_142] : memref<501760xi32, #tpu.memory_space<hbm>> -> memref<64xi32, #tpu.memory_space<hbm>>
    %dma_wait3A_144 = tpu.memref_slice %arg4[%add3A_142] : memref<501760xi32, #tpu.memory_space<hbm>> -> memref<64xi32, #tpu.memory_space<hbm>>
    tpu.wait_dma2 semaphore(%arg61 : memref<!tpu.dma_semaphore, #tpu.memory_space<semaphore_mem>>) src(%dma_wait3A_144 : memref<64xi32, #tpu.memory_space<hbm>>) dst(%arg26 : memref<64xi32, #tpu.memory_space<vmem>>)
    %add3A_145 = arith.constant 320 : i32
    %add3A_146 = arith.addi %mul3A_4, %add3A_145 : i32
    %dma_wait3A_147 = tpu.memref_slice %arg5[%add3A_146] : memref<501760xi32, #tpu.memory_space<hbm>> -> memref<64xi32, #tpu.memory_space<hbm>>
    %dma_wait3A_148 = tpu.memref_slice %arg5[%add3A_146] : memref<501760xi32, #tpu.memory_space<hbm>> -> memref<64xi32, #tpu.memory_space<hbm>>
    tpu.wait_dma2 semaphore(%arg68 : memref<!tpu.dma_semaphore, #tpu.memory_space<semaphore_mem>>) src(%dma_wait3A_148 : memref<64xi32, #tpu.memory_space<hbm>>) dst(%arg33 : memref<64xi32, #tpu.memory_space<vmem>>)
    %dma_start3A_149 = arith.constant 0 : i32
    %dma_start3A_150 = arith.constant 0 : i32
    %dma_start3A_151 = tpu.memref_slice %arg2[%dma_start3A_149, %dma_start3A_150] : memref<100000x128xf32, #tpu.memory_space<hbm>> -> memref<100000x128xf32, #tpu.memory_space<hbm>>
    tpu.enqueue_indirect_dma source(%dma_start3A_151 : memref<100000x128xf32, #tpu.memory_space<hbm>>) target(%arg12 : memref<64x128xf32, #tpu.memory_space<vmem>>) offsets(%arg26 : memref<64xi32, #tpu.memory_space<vmem>>) semaphore(%arg47 : memref<!tpu.dma_semaphore, #tpu.memory_space<semaphore_mem>>)
    %dma_start3A_152 = arith.constant 0 : i32
    %dma_start3A_153 = arith.constant 0 : i32
    %dma_start3A_154 = tpu.memref_slice %arg3[%dma_start3A_152, %dma_start3A_153] : memref<100000x128xf32, #tpu.memory_space<hbm>> -> memref<100000x128xf32, #tpu.memory_space<hbm>>
    tpu.enqueue_indirect_dma source(%dma_start3A_154 : memref<100000x128xf32, #tpu.memory_space<hbm>>) target(%arg19 : memref<64x128xf32, #tpu.memory_space<vmem>>) offsets(%arg33 : memref<64xi32, #tpu.memory_space<vmem>>) semaphore(%arg54 : memref<!tpu.dma_semaphore, #tpu.memory_space<semaphore_mem>>)
    %scan3A = arith.constant 0 : i32
    %scan3A_155 = arith.constant 0 : i32
    %scan3A_156 = arith.constant 35 : i32
    %scan3A_157 = arith.addi %scan3A_155, %scan3A_156 : i32
    %scan3A_158 = arith.constant 1 : i32
    scf.for %scan3A_160 = %scan3A_155 to %scan3A_157 step %scan3A_158  : i32 {
      %mul3A_161 = arith.constant 7 : i32
      %mul3A_162 = arith.muli %scan3A_160, %mul3A_161 : i32
      %add3A_163 = arith.constant 0 : i32
      %add3A_164 = arith.addi %mul3A_162, %add3A_163 : i32
      %add3A_165 = arith.constant 6 : i32
      %add3A_166 = arith.addi %add3A_164, %add3A_165 : i32
      %lt3A = arith.constant 245 : i32
      %lt3A_167 = arith.cmpi slt, %add3A_166, %lt3A : i32
      %convert_element_type3A = arith.extui %lt3A_167 : i1 to i32
      %cond3A = arith.constant 0 : i32
      %cond3A_168 = arith.cmpi ne, %convert_element_type3A, %cond3A : i32
      scf.if %cond3A_168 {
        %add3A_471 = arith.constant 6 : i32
        %add3A_472 = arith.addi %add3A_164, %add3A_471 : i32
        %mul3A_473 = arith.constant 64 : i32
        %mul3A_474 = arith.muli %add3A_472, %mul3A_473 : i32
        %add3A_475 = arith.addi %mul3A_4, %mul3A_474 : i32
        %dma_wait3A_476 = tpu.memref_slice %arg4[%add3A_475] : memref<501760xi32, #tpu.memory_space<hbm>> -> memref<64xi32, #tpu.memory_space<hbm>>
        %dma_wait3A_477 = tpu.memref_slice %arg4[%add3A_475] : memref<501760xi32, #tpu.memory_space<hbm>> -> memref<64xi32, #tpu.memory_space<hbm>>
        tpu.wait_dma2 semaphore(%arg62 : memref<!tpu.dma_semaphore, #tpu.memory_space<semaphore_mem>>) src(%dma_wait3A_477 : memref<64xi32, #tpu.memory_space<hbm>>) dst(%arg27 : memref<64xi32, #tpu.memory_space<vmem>>)
        %mul3A_478 = arith.constant 64 : i32
        %mul3A_479 = arith.muli %add3A_472, %mul3A_478 : i32
        %add3A_480 = arith.addi %mul3A_4, %mul3A_479 : i32
        %dma_wait3A_481 = tpu.memref_slice %arg5[%add3A_480] : memref<501760xi32, #tpu.memory_space<hbm>> -> memref<64xi32, #tpu.memory_space<hbm>>
        %dma_wait3A_482 = tpu.memref_slice %arg5[%add3A_480] : memref<501760xi32, #tpu.memory_space<hbm>> -> memref<64xi32, #tpu.memory_space<hbm>>
        tpu.wait_dma2 semaphore(%arg69 : memref<!tpu.dma_semaphore, #tpu.memory_space<semaphore_mem>>) src(%dma_wait3A_482 : memref<64xi32, #tpu.memory_space<hbm>>) dst(%arg34 : memref<64xi32, #tpu.memory_space<vmem>>)
        %dma_start3A_483 = arith.constant 0 : i32
        %dma_start3A_484 = arith.constant 0 : i32
        %dma_start3A_485 = tpu.memref_slice %arg2[%dma_start3A_483, %dma_start3A_484] : memref<100000x128xf32, #tpu.memory_space<hbm>> -> memref<100000x128xf32, #tpu.memory_space<hbm>>
        tpu.enqueue_indirect_dma source(%dma_start3A_485 : memref<100000x128xf32, #tpu.memory_space<hbm>>) target(%arg13 : memref<64x128xf32, #tpu.memory_space<vmem>>) offsets(%arg27 : memref<64xi32, #tpu.memory_space<vmem>>) semaphore(%arg48 : memref<!tpu.dma_semaphore, #tpu.memory_space<semaphore_mem>>)
        %dma_start3A_486 = arith.constant 0 : i32
        %dma_start3A_487 = arith.constant 0 : i32
        %dma_start3A_488 = tpu.memref_slice %arg3[%dma_start3A_486, %dma_start3A_487] : memref<100000x128xf32, #tpu.memory_space<hbm>> -> memref<100000x128xf32, #tpu.memory_space<hbm>>
        tpu.enqueue_indirect_dma source(%dma_start3A_488 : memref<100000x128xf32, #tpu.memory_space<hbm>>) target(%arg20 : memref<64x128xf32, #tpu.memory_space<vmem>>) offsets(%arg34 : memref<64xi32, #tpu.memory_space<vmem>>) semaphore(%arg55 : memref<!tpu.dma_semaphore, #tpu.memory_space<semaphore_mem>>)
      } else {
      }
      %add3A_169 = arith.constant 6 : i32
      %add3A_170 = arith.addi %add3A_164, %add3A_169 : i32
      %add3A_171 = arith.constant 1 : i32
      %add3A_172 = arith.addi %add3A_170, %add3A_171 : i32
      %lt3A_173 = arith.constant 245 : i32
      %lt3A_174 = arith.cmpi slt, %add3A_172, %lt3A_173 : i32
      %convert_element_type3A_175 = arith.extui %lt3A_174 : i1 to i32
      %cond3A_176 = arith.constant 0 : i32
      %cond3A_177 = arith.cmpi ne, %convert_element_type3A_175, %cond3A_176 : i32
      scf.if %cond3A_177 {
        %add3A_471 = arith.constant 6 : i32
        %add3A_472 = arith.addi %add3A_164, %add3A_471 : i32
        %add3A_473 = arith.constant 1 : i32
        %add3A_474 = arith.addi %add3A_472, %add3A_473 : i32
        %mul3A_475 = arith.constant 64 : i32
        %mul3A_476 = arith.muli %add3A_474, %mul3A_475 : i32
        %add3A_477 = arith.addi %mul3A_4, %mul3A_476 : i32
        %dma_start3A_478 = tpu.memref_slice %arg4[%add3A_477] : memref<501760xi32, #tpu.memory_space<hbm>> -> memref<64xi32, #tpu.memory_space<hbm>>
        %dma_start3A_479 = tpu.memref_slice %arg4[%add3A_477] : memref<501760xi32, #tpu.memory_space<hbm>> -> memref<64xi32, #tpu.memory_space<hbm>>
        tpu.enqueue_dma source(%dma_start3A_479 : memref<64xi32, #tpu.memory_space<hbm>>) target(%arg21 : memref<64xi32, #tpu.memory_space<vmem>>) target_semaphore(%arg56 : memref<!tpu.dma_semaphore, #tpu.memory_space<semaphore_mem>>)
        %mul3A_480 = arith.constant 64 : i32
        %mul3A_481 = arith.muli %add3A_474, %mul3A_480 : i32
        %add3A_482 = arith.addi %mul3A_4, %mul3A_481 : i32
        %dma_start3A_483 = tpu.memref_slice %arg5[%add3A_482] : memref<501760xi32, #tpu.memory_space<hbm>> -> memref<64xi32, #tpu.memory_space<hbm>>
        %dma_start3A_484 = tpu.memref_slice %arg5[%add3A_482] : memref<501760xi32, #tpu.memory_space<hbm>> -> memref<64xi32, #tpu.memory_space<hbm>>
        tpu.enqueue_dma source(%dma_start3A_484 : memref<64xi32, #tpu.memory_space<hbm>>) target(%arg28 : memref<64xi32, #tpu.memory_space<vmem>>) target_semaphore(%arg63 : memref<!tpu.dma_semaphore, #tpu.memory_space<semaphore_mem>>)
      } else {
      }
      %dma_wait3A_178 = arith.constant 0 : i32
      %dma_wait3A_179 = arith.constant 0 : i32
      %dma_wait3A_180 = tpu.memref_slice %arg2[%dma_wait3A_178, %dma_wait3A_179] : memref<100000x128xf32, #tpu.memory_space<hbm>> -> memref<100000x128xf32, #tpu.memory_space<hbm>>
      tpu.wait_indirect_dma semaphore(%arg42 : memref<!tpu.dma_semaphore, #tpu.memory_space<semaphore_mem>>) src(%dma_wait3A_180 : memref<100000x128xf32, #tpu.memory_space<hbm>>) dst(%arg7 : memref<64x128xf32, #tpu.memory_space<vmem>>)
      %dma_wait3A_181 = arith.constant 0 : i32
      %dma_wait3A_182 = arith.constant 0 : i32
      %dma_wait3A_183 = tpu.memref_slice %arg3[%dma_wait3A_181, %dma_wait3A_182] : memref<100000x128xf32, #tpu.memory_space<hbm>> -> memref<100000x128xf32, #tpu.memory_space<hbm>>
      tpu.wait_indirect_dma semaphore(%arg49 : memref<!tpu.dma_semaphore, #tpu.memory_space<semaphore_mem>>) src(%dma_wait3A_183 : memref<100000x128xf32, #tpu.memory_space<hbm>>) dst(%arg14 : memref<64x128xf32, #tpu.memory_space<vmem>>)
      %broadcast_in_dim3A = arith.constant 0.000000e+00 : f32
      %broadcast_in_dim3A_184 = vector.broadcast %broadcast_in_dim3A : f32 to vector<16xf32>
      %scan3A_185 = arith.constant 0 : i32
      %scan3A_186 = arith.constant 128 : i32
      %scan3A_187 = arith.addi %scan3A_185, %scan3A_186 : i32
      %scan3A_188 = arith.constant 1 : i32
      %scan3A_189:4 = scf.for %scan3A_471 = %scan3A_185 to %scan3A_187 step %scan3A_188 iter_args(%scan3A_472 = %broadcast_in_dim3A_184, %scan3A_473 = %broadcast_in_dim3A_184, %scan3A_474 = %broadcast_in_dim3A_184, %scan3A_475 = %broadcast_in_dim3A_184) -> (vector<16xf32>, vector<16xf32>, vector<16xf32>, vector<16xf32>)  : i32 {
        %add3A_476 = vector.broadcast %scan3A_471 : i32 to vector<16xi32>
        %add3A_477 = arith.addi %iota3A, %add3A_476 : vector<16xi32>
        %and3A = arith.constant 127 : i32
        %and3A_478 = vector.broadcast %and3A : i32 to vector<16xi32>
        %and3A_479 = arith.andi %add3A_477, %and3A_478 : vector<16xi32>
        %gather3A = tpu.vector_load_idx %arg7[%add3A_7, %and3A_479] : memref<64x128xf32, #tpu.memory_space<vmem>>[vector<16xi32>, vector<16xi32>], vector<16xf32>,
        %gather3A_480 = tpu.vector_load_idx %arg14[%add3A_7, %and3A_479] : memref<64x128xf32, #tpu.memory_space<vmem>>[vector<16xi32>, vector<16xi32>], vector<16xf32>,
        %mul3A_481 = arith.mulf %gather3A, %gather3A_480 : vector<16xf32>
        %add3A_482 = arith.addf %scan3A_472, %mul3A_481 : vector<16xf32>
        %gather3A_483 = tpu.vector_load_idx %arg7[%add3A_10, %and3A_479] : memref<64x128xf32, #tpu.memory_space<vmem>>[vector<16xi32>, vector<16xi32>], vector<16xf32>,
        %gather3A_484 = tpu.vector_load_idx %arg14[%add3A_10, %and3A_479] : memref<64x128xf32, #tpu.memory_space<vmem>>[vector<16xi32>, vector<16xi32>], vector<16xf32>,
        %mul3A_485 = arith.mulf %gather3A_483, %gather3A_484 : vector<16xf32>
        %add3A_486 = arith.addf %scan3A_473, %mul3A_485 : vector<16xf32>
        %gather3A_487 = tpu.vector_load_idx %arg7[%add3A_13, %and3A_479] : memref<64x128xf32, #tpu.memory_space<vmem>>[vector<16xi32>, vector<16xi32>], vector<16xf32>,
        %gather3A_488 = tpu.vector_load_idx %arg14[%add3A_13, %and3A_479] : memref<64x128xf32, #tpu.memory_space<vmem>>[vector<16xi32>, vector<16xi32>], vector<16xf32>,
        %mul3A_489 = arith.mulf %gather3A_487, %gather3A_488 : vector<16xf32>
        %add3A_490 = arith.addf %scan3A_474, %mul3A_489 : vector<16xf32>
        %gather3A_491 = tpu.vector_load_idx %arg7[%add3A_16, %and3A_479] : memref<64x128xf32, #tpu.memory_space<vmem>>[vector<16xi32>, vector<16xi32>], vector<16xf32>,
        %gather3A_492 = tpu.vector_load_idx %arg14[%add3A_16, %and3A_479] : memref<64x128xf32, #tpu.memory_space<vmem>>[vector<16xi32>, vector<16xi32>], vector<16xf32>,
        %mul3A_493 = arith.mulf %gather3A_491, %gather3A_492 : vector<16xf32>
        %add3A_494 = arith.addf %scan3A_475, %mul3A_493 : vector<16xf32>
        scf.yield %add3A_482, %add3A_486, %add3A_490, %add3A_494 : vector<16xf32>, vector<16xf32>, vector<16xf32>, vector<16xf32>
      }
      %scan3A_190 = arith.constant 128 : i32
      %swap3A = arith.constant 0 : index
      %swap3A_191 = tpu.vector_load %arg35[%swap3A] {strides = array<i32>} : memref<64xf32, #tpu.memory_space<vmem>>, vector<16xf32>,
      tpu.vector_store %arg35[%swap3A], %scan3A_189#0 {strides = array<i32>} : memref<64xf32, #tpu.memory_space<vmem>>, vector<16xf32>,
      %swap3A_192 = arith.constant 16 : index
      %swap3A_193 = tpu.vector_load %arg35[%swap3A_192] {strides = array<i32>} : memref<64xf32, #tpu.memory_space<vmem>>, vector<16xf32>,
      tpu.vector_store %arg35[%swap3A_192], %scan3A_189#1 {strides = array<i32>} : memref<64xf32, #tpu.memory_space<vmem>>, vector<16xf32>,
      %swap3A_194 = arith.constant 32 : index
      %swap3A_195 = tpu.vector_load %arg35[%swap3A_194] {strides = array<i32>} : memref<64xf32, #tpu.memory_space<vmem>>, vector<16xf32>,
      tpu.vector_store %arg35[%swap3A_194], %scan3A_189#2 {strides = array<i32>} : memref<64xf32, #tpu.memory_space<vmem>>, vector<16xf32>,
      %swap3A_196 = arith.constant 48 : index
      %swap3A_197 = tpu.vector_load %arg35[%swap3A_196] {strides = array<i32>} : memref<64xf32, #tpu.memory_space<vmem>>, vector<16xf32>,
      tpu.vector_store %arg35[%swap3A_196], %scan3A_189#3 {strides = array<i32>} : memref<64xf32, #tpu.memory_space<vmem>>, vector<16xf32>,
      %mul3A_198 = arith.constant 64 : i32
      %mul3A_199 = arith.muli %add3A_164, %mul3A_198 : i32
      %add3A_200 = arith.addi %mul3A_4, %mul3A_199 : i32
      "tpu.region"() ({
        %run_scoped3A = tpu.sem_alloc : memref<!tpu.dma_semaphore, #tpu.memory_space<semaphore_mem>>
        %dma_start3A_471 = tpu.memref_slice %arg6[%add3A_200] : memref<501760xf32, #tpu.memory_space<hbm>> -> memref<64xf32, #tpu.memory_space<hbm>>
        %dma_start3A_472 = tpu.memref_slice %arg6[%add3A_200] : memref<501760xf32, #tpu.memory_space<hbm>> -> memref<64xf32, #tpu.memory_space<hbm>>
        tpu.enqueue_dma source(%arg35 : memref<64xf32, #tpu.memory_space<vmem>>) target(%dma_start3A_472 : memref<64xf32, #tpu.memory_space<hbm>>) target_semaphore(%run_scoped3A : memref<!tpu.dma_semaphore, #tpu.memory_space<semaphore_mem>>)
        %dma_wait3A_473 = tpu.memref_slice %arg6[%add3A_200] : memref<501760xf32, #tpu.memory_space<hbm>> -> memref<64xf32, #tpu.memory_space<hbm>>
        %dma_wait3A_474 = tpu.memref_slice %arg6[%add3A_200] : memref<501760xf32, #tpu.memory_space<hbm>> -> memref<64xf32, #tpu.memory_space<hbm>>
        tpu.wait_dma2 semaphore(%run_scoped3A : memref<!tpu.dma_semaphore, #tpu.memory_space<semaphore_mem>>) src(%arg35 : memref<64xf32, #tpu.memory_space<vmem>>) dst(%dma_wait3A_474 : memref<64xf32, #tpu.memory_space<hbm>>)
        tpu.yield
      }) : () -> ()
      %mul3A_201 = arith.constant 7 : i32
      %mul3A_202 = arith.muli %scan3A_160, %mul3A_201 : i32
      %add3A_203 = arith.constant 1 : i32
      %add3A_204 = arith.addi %mul3A_202, %add3A_203 : i32
      %add3A_205 = arith.constant 6 : i32
      %add3A_206 = arith.addi %add3A_204, %add3A_205 : i32
      %lt3A_207 = arith.constant 245 : i32
      %lt3A_208 = arith.cmpi slt, %add3A_206, %lt3A_207 : i32
      %convert_element_type3A_209 = arith.extui %lt3A_208 : i1 to i32
      %cond3A_210 = arith.constant 0 : i32
      %cond3A_211 = arith.cmpi ne, %convert_element_type3A_209, %cond3A_210 : i32
      scf.if %cond3A_211 {
        %add3A_471 = arith.constant 6 : i32
        %add3A_472 = arith.addi %add3A_204, %add3A_471 : i32
        %mul3A_473 = arith.constant 64 : i32
        %mul3A_474 = arith.muli %add3A_472, %mul3A_473 : i32
        %add3A_475 = arith.addi %mul3A_4, %mul3A_474 : i32
        %dma_wait3A_476 = tpu.memref_slice %arg4[%add3A_475] : memref<501760xi32, #tpu.memory_space<hbm>> -> memref<64xi32, #tpu.memory_space<hbm>>
        %dma_wait3A_477 = tpu.memref_slice %arg4[%add3A_475] : memref<501760xi32, #tpu.memory_space<hbm>> -> memref<64xi32, #tpu.memory_space<hbm>>
        tpu.wait_dma2 semaphore(%arg56 : memref<!tpu.dma_semaphore, #tpu.memory_space<semaphore_mem>>) src(%dma_wait3A_477 : memref<64xi32, #tpu.memory_space<hbm>>) dst(%arg21 : memref<64xi32, #tpu.memory_space<vmem>>)
        %mul3A_478 = arith.constant 64 : i32
        %mul3A_479 = arith.muli %add3A_472, %mul3A_478 : i32
        %add3A_480 = arith.addi %mul3A_4, %mul3A_479 : i32
        %dma_wait3A_481 = tpu.memref_slice %arg5[%add3A_480] : memref<501760xi32, #tpu.memory_space<hbm>> -> memref<64xi32, #tpu.memory_space<hbm>>
        %dma_wait3A_482 = tpu.memref_slice %arg5[%add3A_480] : memref<501760xi32, #tpu.memory_space<hbm>> -> memref<64xi32, #tpu.memory_space<hbm>>
        tpu.wait_dma2 semaphore(%arg63 : memref<!tpu.dma_semaphore, #tpu.memory_space<semaphore_mem>>) src(%dma_wait3A_482 : memref<64xi32, #tpu.memory_space<hbm>>) dst(%arg28 : memref<64xi32, #tpu.memory_space<vmem>>)
        %dma_start3A_483 = arith.constant 0 : i32
        %dma_start3A_484 = arith.constant 0 : i32
        %dma_start3A_485 = tpu.memref_slice %arg2[%dma_start3A_483, %dma_start3A_484] : memref<100000x128xf32, #tpu.memory_space<hbm>> -> memref<100000x128xf32, #tpu.memory_space<hbm>>
        tpu.enqueue_indirect_dma source(%dma_start3A_485 : memref<100000x128xf32, #tpu.memory_space<hbm>>) target(%arg7 : memref<64x128xf32, #tpu.memory_space<vmem>>) offsets(%arg21 : memref<64xi32, #tpu.memory_space<vmem>>) semaphore(%arg42 : memref<!tpu.dma_semaphore, #tpu.memory_space<semaphore_mem>>)
        %dma_start3A_486 = arith.constant 0 : i32
        %dma_start3A_487 = arith.constant 0 : i32
        %dma_start3A_488 = tpu.memref_slice %arg3[%dma_start3A_486, %dma_start3A_487] : memref<100000x128xf32, #tpu.memory_space<hbm>> -> memref<100000x128xf32, #tpu.memory_space<hbm>>
        tpu.enqueue_indirect_dma source(%dma_start3A_488 : memref<100000x128xf32, #tpu.memory_space<hbm>>) target(%arg14 : memref<64x128xf32, #tpu.memory_space<vmem>>) offsets(%arg28 : memref<64xi32, #tpu.memory_space<vmem>>) semaphore(%arg49 : memref<!tpu.dma_semaphore, #tpu.memory_space<semaphore_mem>>)
      } else {
      }
      %add3A_212 = arith.constant 6 : i32
      %add3A_213 = arith.addi %add3A_204, %add3A_212 : i32
      %add3A_214 = arith.constant 1 : i32
      %add3A_215 = arith.addi %add3A_213, %add3A_214 : i32
      %lt3A_216 = arith.constant 245 : i32
      %lt3A_217 = arith.cmpi slt, %add3A_215, %lt3A_216 : i32
      %convert_element_type3A_218 = arith.extui %lt3A_217 : i1 to i32
      %cond3A_219 = arith.constant 0 : i32
      %cond3A_220 = arith.cmpi ne, %convert_element_type3A_218, %cond3A_219 : i32
      scf.if %cond3A_220 {
        %add3A_471 = arith.constant 6 : i32
        %add3A_472 = arith.addi %add3A_204, %add3A_471 : i32
        %add3A_473 = arith.constant 1 : i32
        %add3A_474 = arith.addi %add3A_472, %add3A_473 : i32
        %mul3A_475 = arith.constant 64 : i32
        %mul3A_476 = arith.muli %add3A_474, %mul3A_475 : i32
        %add3A_477 = arith.addi %mul3A_4, %mul3A_476 : i32
        %dma_start3A_478 = tpu.memref_slice %arg4[%add3A_477] : memref<501760xi32, #tpu.memory_space<hbm>> -> memref<64xi32, #tpu.memory_space<hbm>>
        %dma_start3A_479 = tpu.memref_slice %arg4[%add3A_477] : memref<501760xi32, #tpu.memory_space<hbm>> -> memref<64xi32, #tpu.memory_space<hbm>>
        tpu.enqueue_dma source(%dma_start3A_479 : memref<64xi32, #tpu.memory_space<hbm>>) target(%arg22 : memref<64xi32, #tpu.memory_space<vmem>>) target_semaphore(%arg57 : memref<!tpu.dma_semaphore, #tpu.memory_space<semaphore_mem>>)
        %mul3A_480 = arith.constant 64 : i32
        %mul3A_481 = arith.muli %add3A_474, %mul3A_480 : i32
        %add3A_482 = arith.addi %mul3A_4, %mul3A_481 : i32
        %dma_start3A_483 = tpu.memref_slice %arg5[%add3A_482] : memref<501760xi32, #tpu.memory_space<hbm>> -> memref<64xi32, #tpu.memory_space<hbm>>
        %dma_start3A_484 = tpu.memref_slice %arg5[%add3A_482] : memref<501760xi32, #tpu.memory_space<hbm>> -> memref<64xi32, #tpu.memory_space<hbm>>
        tpu.enqueue_dma source(%dma_start3A_484 : memref<64xi32, #tpu.memory_space<hbm>>) target(%arg29 : memref<64xi32, #tpu.memory_space<vmem>>) target_semaphore(%arg64 : memref<!tpu.dma_semaphore, #tpu.memory_space<semaphore_mem>>)
      } else {
      }
      %dma_wait3A_221 = arith.constant 0 : i32
      %dma_wait3A_222 = arith.constant 0 : i32
      %dma_wait3A_223 = tpu.memref_slice %arg2[%dma_wait3A_221, %dma_wait3A_222] : memref<100000x128xf32, #tpu.memory_space<hbm>> -> memref<100000x128xf32, #tpu.memory_space<hbm>>
      tpu.wait_indirect_dma semaphore(%arg43 : memref<!tpu.dma_semaphore, #tpu.memory_space<semaphore_mem>>) src(%dma_wait3A_223 : memref<100000x128xf32, #tpu.memory_space<hbm>>) dst(%arg8 : memref<64x128xf32, #tpu.memory_space<vmem>>)
      %dma_wait3A_224 = arith.constant 0 : i32
      %dma_wait3A_225 = arith.constant 0 : i32
      %dma_wait3A_226 = tpu.memref_slice %arg3[%dma_wait3A_224, %dma_wait3A_225] : memref<100000x128xf32, #tpu.memory_space<hbm>> -> memref<100000x128xf32, #tpu.memory_space<hbm>>
      tpu.wait_indirect_dma semaphore(%arg50 : memref<!tpu.dma_semaphore, #tpu.memory_space<semaphore_mem>>) src(%dma_wait3A_226 : memref<100000x128xf32, #tpu.memory_space<hbm>>) dst(%arg15 : memref<64x128xf32, #tpu.memory_space<vmem>>)
      %broadcast_in_dim3A_227 = arith.constant 0.000000e+00 : f32
      %broadcast_in_dim3A_228 = vector.broadcast %broadcast_in_dim3A_227 : f32 to vector<16xf32>
      %scan3A_229 = arith.constant 0 : i32
      %scan3A_230 = arith.constant 128 : i32
      %scan3A_231 = arith.addi %scan3A_229, %scan3A_230 : i32
      %scan3A_232 = arith.constant 1 : i32
      %scan3A_233:4 = scf.for %scan3A_471 = %scan3A_229 to %scan3A_231 step %scan3A_232 iter_args(%scan3A_472 = %broadcast_in_dim3A_228, %scan3A_473 = %broadcast_in_dim3A_228, %scan3A_474 = %broadcast_in_dim3A_228, %scan3A_475 = %broadcast_in_dim3A_228) -> (vector<16xf32>, vector<16xf32>, vector<16xf32>, vector<16xf32>)  : i32 {
        %add3A_476 = vector.broadcast %scan3A_471 : i32 to vector<16xi32>
        %add3A_477 = arith.addi %iota3A, %add3A_476 : vector<16xi32>
        %and3A = arith.constant 127 : i32
        %and3A_478 = vector.broadcast %and3A : i32 to vector<16xi32>
        %and3A_479 = arith.andi %add3A_477, %and3A_478 : vector<16xi32>
        %gather3A = tpu.vector_load_idx %arg8[%add3A_7, %and3A_479] : memref<64x128xf32, #tpu.memory_space<vmem>>[vector<16xi32>, vector<16xi32>], vector<16xf32>,
        %gather3A_480 = tpu.vector_load_idx %arg15[%add3A_7, %and3A_479] : memref<64x128xf32, #tpu.memory_space<vmem>>[vector<16xi32>, vector<16xi32>], vector<16xf32>,
        %mul3A_481 = arith.mulf %gather3A, %gather3A_480 : vector<16xf32>
        %add3A_482 = arith.addf %scan3A_472, %mul3A_481 : vector<16xf32>
        %gather3A_483 = tpu.vector_load_idx %arg8[%add3A_10, %and3A_479] : memref<64x128xf32, #tpu.memory_space<vmem>>[vector<16xi32>, vector<16xi32>], vector<16xf32>,
        %gather3A_484 = tpu.vector_load_idx %arg15[%add3A_10, %and3A_479] : memref<64x128xf32, #tpu.memory_space<vmem>>[vector<16xi32>, vector<16xi32>], vector<16xf32>,
        %mul3A_485 = arith.mulf %gather3A_483, %gather3A_484 : vector<16xf32>
        %add3A_486 = arith.addf %scan3A_473, %mul3A_485 : vector<16xf32>
        %gather3A_487 = tpu.vector_load_idx %arg8[%add3A_13, %and3A_479] : memref<64x128xf32, #tpu.memory_space<vmem>>[vector<16xi32>, vector<16xi32>], vector<16xf32>,
        %gather3A_488 = tpu.vector_load_idx %arg15[%add3A_13, %and3A_479] : memref<64x128xf32, #tpu.memory_space<vmem>>[vector<16xi32>, vector<16xi32>], vector<16xf32>,
        %mul3A_489 = arith.mulf %gather3A_487, %gather3A_488 : vector<16xf32>
        %add3A_490 = arith.addf %scan3A_474, %mul3A_489 : vector<16xf32>
        %gather3A_491 = tpu.vector_load_idx %arg8[%add3A_16, %and3A_479] : memref<64x128xf32, #tpu.memory_space<vmem>>[vector<16xi32>, vector<16xi32>], vector<16xf32>,
        %gather3A_492 = tpu.vector_load_idx %arg15[%add3A_16, %and3A_479] : memref<64x128xf32, #tpu.memory_space<vmem>>[vector<16xi32>, vector<16xi32>], vector<16xf32>,
        %mul3A_493 = arith.mulf %gather3A_491, %gather3A_492 : vector<16xf32>
        %add3A_494 = arith.addf %scan3A_475, %mul3A_493 : vector<16xf32>
        scf.yield %add3A_482, %add3A_486, %add3A_490, %add3A_494 : vector<16xf32>, vector<16xf32>, vector<16xf32>, vector<16xf32>
      }
      %scan3A_234 = arith.constant 128 : i32
      %swap3A_235 = arith.constant 0 : index
      %swap3A_236 = tpu.vector_load %arg36[%swap3A_235] {strides = array<i32>} : memref<64xf32, #tpu.memory_space<vmem>>, vector<16xf32>,
      tpu.vector_store %arg36[%swap3A_235], %scan3A_233#0 {strides = array<i32>} : memref<64xf32, #tpu.memory_space<vmem>>, vector<16xf32>,
      %swap3A_237 = arith.constant 16 : index
      %swap3A_238 = tpu.vector_load %arg36[%swap3A_237] {strides = array<i32>} : memref<64xf32, #tpu.memory_space<vmem>>, vector<16xf32>,
      tpu.vector_store %arg36[%swap3A_237], %scan3A_233#1 {strides = array<i32>} : memref<64xf32, #tpu.memory_space<vmem>>, vector<16xf32>,
      %swap3A_239 = arith.constant 32 : index
      %swap3A_240 = tpu.vector_load %arg36[%swap3A_239] {strides = array<i32>} : memref<64xf32, #tpu.memory_space<vmem>>, vector<16xf32>,
      tpu.vector_store %arg36[%swap3A_239], %scan3A_233#2 {strides = array<i32>} : memref<64xf32, #tpu.memory_space<vmem>>, vector<16xf32>,
      %swap3A_241 = arith.constant 48 : index
      %swap3A_242 = tpu.vector_load %arg36[%swap3A_241] {strides = array<i32>} : memref<64xf32, #tpu.memory_space<vmem>>, vector<16xf32>,
      tpu.vector_store %arg36[%swap3A_241], %scan3A_233#3 {strides = array<i32>} : memref<64xf32, #tpu.memory_space<vmem>>, vector<16xf32>,
      %mul3A_243 = arith.constant 64 : i32
      %mul3A_244 = arith.muli %add3A_204, %mul3A_243 : i32
      %add3A_245 = arith.addi %mul3A_4, %mul3A_244 : i32
      "tpu.region"() ({
        %run_scoped3A = tpu.sem_alloc : memref<!tpu.dma_semaphore, #tpu.memory_space<semaphore_mem>>
        %dma_start3A_471 = tpu.memref_slice %arg6[%add3A_245] : memref<501760xf32, #tpu.memory_space<hbm>> -> memref<64xf32, #tpu.memory_space<hbm>>
        %dma_start3A_472 = tpu.memref_slice %arg6[%add3A_245] : memref<501760xf32, #tpu.memory_space<hbm>> -> memref<64xf32, #tpu.memory_space<hbm>>
        tpu.enqueue_dma source(%arg36 : memref<64xf32, #tpu.memory_space<vmem>>) target(%dma_start3A_472 : memref<64xf32, #tpu.memory_space<hbm>>) target_semaphore(%run_scoped3A : memref<!tpu.dma_semaphore, #tpu.memory_space<semaphore_mem>>)
        %dma_wait3A_473 = tpu.memref_slice %arg6[%add3A_245] : memref<501760xf32, #tpu.memory_space<hbm>> -> memref<64xf32, #tpu.memory_space<hbm>>
        %dma_wait3A_474 = tpu.memref_slice %arg6[%add3A_245] : memref<501760xf32, #tpu.memory_space<hbm>> -> memref<64xf32, #tpu.memory_space<hbm>>
        tpu.wait_dma2 semaphore(%run_scoped3A : memref<!tpu.dma_semaphore, #tpu.memory_space<semaphore_mem>>) src(%arg36 : memref<64xf32, #tpu.memory_space<vmem>>) dst(%dma_wait3A_474 : memref<64xf32, #tpu.memory_space<hbm>>)
        tpu.yield
      }) : () -> ()
      %mul3A_246 = arith.constant 7 : i32
      %mul3A_247 = arith.muli %scan3A_160, %mul3A_246 : i32
      %add3A_248 = arith.constant 2 : i32
      %add3A_249 = arith.addi %mul3A_247, %add3A_248 : i32
      %add3A_250 = arith.constant 6 : i32
      %add3A_251 = arith.addi %add3A_249, %add3A_250 : i32
      %lt3A_252 = arith.constant 245 : i32
      %lt3A_253 = arith.cmpi slt, %add3A_251, %lt3A_252 : i32
      %convert_element_type3A_254 = arith.extui %lt3A_253 : i1 to i32
      %cond3A_255 = arith.constant 0 : i32
      %cond3A_256 = arith.cmpi ne, %convert_element_type3A_254, %cond3A_255 : i32
      scf.if %cond3A_256 {
        %add3A_471 = arith.constant 6 : i32
        %add3A_472 = arith.addi %add3A_249, %add3A_471 : i32
        %mul3A_473 = arith.constant 64 : i32
        %mul3A_474 = arith.muli %add3A_472, %mul3A_473 : i32
        %add3A_475 = arith.addi %mul3A_4, %mul3A_474 : i32
        %dma_wait3A_476 = tpu.memref_slice %arg4[%add3A_475] : memref<501760xi32, #tpu.memory_space<hbm>> -> memref<64xi32, #tpu.memory_space<hbm>>
        %dma_wait3A_477 = tpu.memref_slice %arg4[%add3A_475] : memref<501760xi32, #tpu.memory_space<hbm>> -> memref<64xi32, #tpu.memory_space<hbm>>
        tpu.wait_dma2 semaphore(%arg57 : memref<!tpu.dma_semaphore, #tpu.memory_space<semaphore_mem>>) src(%dma_wait3A_477 : memref<64xi32, #tpu.memory_space<hbm>>) dst(%arg22 : memref<64xi32, #tpu.memory_space<vmem>>)
        %mul3A_478 = arith.constant 64 : i32
        %mul3A_479 = arith.muli %add3A_472, %mul3A_478 : i32
        %add3A_480 = arith.addi %mul3A_4, %mul3A_479 : i32
        %dma_wait3A_481 = tpu.memref_slice %arg5[%add3A_480] : memref<501760xi32, #tpu.memory_space<hbm>> -> memref<64xi32, #tpu.memory_space<hbm>>
        %dma_wait3A_482 = tpu.memref_slice %arg5[%add3A_480] : memref<501760xi32, #tpu.memory_space<hbm>> -> memref<64xi32, #tpu.memory_space<hbm>>
        tpu.wait_dma2 semaphore(%arg64 : memref<!tpu.dma_semaphore, #tpu.memory_space<semaphore_mem>>) src(%dma_wait3A_482 : memref<64xi32, #tpu.memory_space<hbm>>) dst(%arg29 : memref<64xi32, #tpu.memory_space<vmem>>)
        %dma_start3A_483 = arith.constant 0 : i32
        %dma_start3A_484 = arith.constant 0 : i32
        %dma_start3A_485 = tpu.memref_slice %arg2[%dma_start3A_483, %dma_start3A_484] : memref<100000x128xf32, #tpu.memory_space<hbm>> -> memref<100000x128xf32, #tpu.memory_space<hbm>>
        tpu.enqueue_indirect_dma source(%dma_start3A_485 : memref<100000x128xf32, #tpu.memory_space<hbm>>) target(%arg8 : memref<64x128xf32, #tpu.memory_space<vmem>>) offsets(%arg22 : memref<64xi32, #tpu.memory_space<vmem>>) semaphore(%arg43 : memref<!tpu.dma_semaphore, #tpu.memory_space<semaphore_mem>>)
        %dma_start3A_486 = arith.constant 0 : i32
        %dma_start3A_487 = arith.constant 0 : i32
        %dma_start3A_488 = tpu.memref_slice %arg3[%dma_start3A_486, %dma_start3A_487] : memref<100000x128xf32, #tpu.memory_space<hbm>> -> memref<100000x128xf32, #tpu.memory_space<hbm>>
        tpu.enqueue_indirect_dma source(%dma_start3A_488 : memref<100000x128xf32, #tpu.memory_space<hbm>>) target(%arg15 : memref<64x128xf32, #tpu.memory_space<vmem>>) offsets(%arg29 : memref<64xi32, #tpu.memory_space<vmem>>) semaphore(%arg50 : memref<!tpu.dma_semaphore, #tpu.memory_space<semaphore_mem>>)
      } else {
      }
      %add3A_257 = arith.constant 6 : i32
      %add3A_258 = arith.addi %add3A_249, %add3A_257 : i32
      %add3A_259 = arith.constant 1 : i32
      %add3A_260 = arith.addi %add3A_258, %add3A_259 : i32
      %lt3A_261 = arith.constant 245 : i32
      %lt3A_262 = arith.cmpi slt, %add3A_260, %lt3A_261 : i32
      %convert_element_type3A_263 = arith.extui %lt3A_262 : i1 to i32
      %cond3A_264 = arith.constant 0 : i32
      %cond3A_265 = arith.cmpi ne, %convert_element_type3A_263, %cond3A_264 : i32
      scf.if %cond3A_265 {
        %add3A_471 = arith.constant 6 : i32
        %add3A_472 = arith.addi %add3A_249, %add3A_471 : i32
        %add3A_473 = arith.constant 1 : i32
        %add3A_474 = arith.addi %add3A_472, %add3A_473 : i32
        %mul3A_475 = arith.constant 64 : i32
        %mul3A_476 = arith.muli %add3A_474, %mul3A_475 : i32
        %add3A_477 = arith.addi %mul3A_4, %mul3A_476 : i32
        %dma_start3A_478 = tpu.memref_slice %arg4[%add3A_477] : memref<501760xi32, #tpu.memory_space<hbm>> -> memref<64xi32, #tpu.memory_space<hbm>>
        %dma_start3A_479 = tpu.memref_slice %arg4[%add3A_477] : memref<501760xi32, #tpu.memory_space<hbm>> -> memref<64xi32, #tpu.memory_space<hbm>>
        tpu.enqueue_dma source(%dma_start3A_479 : memref<64xi32, #tpu.memory_space<hbm>>) target(%arg23 : memref<64xi32, #tpu.memory_space<vmem>>) target_semaphore(%arg58 : memref<!tpu.dma_semaphore, #tpu.memory_space<semaphore_mem>>)
        %mul3A_480 = arith.constant 64 : i32
        %mul3A_481 = arith.muli %add3A_474, %mul3A_480 : i32
        %add3A_482 = arith.addi %mul3A_4, %mul3A_481 : i32
        %dma_start3A_483 = tpu.memref_slice %arg5[%add3A_482] : memref<501760xi32, #tpu.memory_space<hbm>> -> memref<64xi32, #tpu.memory_space<hbm>>
        %dma_start3A_484 = tpu.memref_slice %arg5[%add3A_482] : memref<501760xi32, #tpu.memory_space<hbm>> -> memref<64xi32, #tpu.memory_space<hbm>>
        tpu.enqueue_dma source(%dma_start3A_484 : memref<64xi32, #tpu.memory_space<hbm>>) target(%arg30 : memref<64xi32, #tpu.memory_space<vmem>>) target_semaphore(%arg65 : memref<!tpu.dma_semaphore, #tpu.memory_space<semaphore_mem>>)
      } else {
      }
      %dma_wait3A_266 = arith.constant 0 : i32
      %dma_wait3A_267 = arith.constant 0 : i32
      %dma_wait3A_268 = tpu.memref_slice %arg2[%dma_wait3A_266, %dma_wait3A_267] : memref<100000x128xf32, #tpu.memory_space<hbm>> -> memref<100000x128xf32, #tpu.memory_space<hbm>>
      tpu.wait_indirect_dma semaphore(%arg44 : memref<!tpu.dma_semaphore, #tpu.memory_space<semaphore_mem>>) src(%dma_wait3A_268 : memref<100000x128xf32, #tpu.memory_space<hbm>>) dst(%arg9 : memref<64x128xf32, #tpu.memory_space<vmem>>)
      %dma_wait3A_269 = arith.constant 0 : i32
      %dma_wait3A_270 = arith.constant 0 : i32
      %dma_wait3A_271 = tpu.memref_slice %arg3[%dma_wait3A_269, %dma_wait3A_270] : memref<100000x128xf32, #tpu.memory_space<hbm>> -> memref<100000x128xf32, #tpu.memory_space<hbm>>
      tpu.wait_indirect_dma semaphore(%arg51 : memref<!tpu.dma_semaphore, #tpu.memory_space<semaphore_mem>>) src(%dma_wait3A_271 : memref<100000x128xf32, #tpu.memory_space<hbm>>) dst(%arg16 : memref<64x128xf32, #tpu.memory_space<vmem>>)
      %broadcast_in_dim3A_272 = arith.constant 0.000000e+00 : f32
      %broadcast_in_dim3A_273 = vector.broadcast %broadcast_in_dim3A_272 : f32 to vector<16xf32>
      %scan3A_274 = arith.constant 0 : i32
      %scan3A_275 = arith.constant 128 : i32
      %scan3A_276 = arith.addi %scan3A_274, %scan3A_275 : i32
      %scan3A_277 = arith.constant 1 : i32
      %scan3A_278:4 = scf.for %scan3A_471 = %scan3A_274 to %scan3A_276 step %scan3A_277 iter_args(%scan3A_472 = %broadcast_in_dim3A_273, %scan3A_473 = %broadcast_in_dim3A_273, %scan3A_474 = %broadcast_in_dim3A_273, %scan3A_475 = %broadcast_in_dim3A_273) -> (vector<16xf32>, vector<16xf32>, vector<16xf32>, vector<16xf32>)  : i32 {
        %add3A_476 = vector.broadcast %scan3A_471 : i32 to vector<16xi32>
        %add3A_477 = arith.addi %iota3A, %add3A_476 : vector<16xi32>
        %and3A = arith.constant 127 : i32
        %and3A_478 = vector.broadcast %and3A : i32 to vector<16xi32>
        %and3A_479 = arith.andi %add3A_477, %and3A_478 : vector<16xi32>
        %gather3A = tpu.vector_load_idx %arg9[%add3A_7, %and3A_479] : memref<64x128xf32, #tpu.memory_space<vmem>>[vector<16xi32>, vector<16xi32>], vector<16xf32>,
        %gather3A_480 = tpu.vector_load_idx %arg16[%add3A_7, %and3A_479] : memref<64x128xf32, #tpu.memory_space<vmem>>[vector<16xi32>, vector<16xi32>], vector<16xf32>,
        %mul3A_481 = arith.mulf %gather3A, %gather3A_480 : vector<16xf32>
        %add3A_482 = arith.addf %scan3A_472, %mul3A_481 : vector<16xf32>
        %gather3A_483 = tpu.vector_load_idx %arg9[%add3A_10, %and3A_479] : memref<64x128xf32, #tpu.memory_space<vmem>>[vector<16xi32>, vector<16xi32>], vector<16xf32>,
        %gather3A_484 = tpu.vector_load_idx %arg16[%add3A_10, %and3A_479] : memref<64x128xf32, #tpu.memory_space<vmem>>[vector<16xi32>, vector<16xi32>], vector<16xf32>,
        %mul3A_485 = arith.mulf %gather3A_483, %gather3A_484 : vector<16xf32>
        %add3A_486 = arith.addf %scan3A_473, %mul3A_485 : vector<16xf32>
        %gather3A_487 = tpu.vector_load_idx %arg9[%add3A_13, %and3A_479] : memref<64x128xf32, #tpu.memory_space<vmem>>[vector<16xi32>, vector<16xi32>], vector<16xf32>,
        %gather3A_488 = tpu.vector_load_idx %arg16[%add3A_13, %and3A_479] : memref<64x128xf32, #tpu.memory_space<vmem>>[vector<16xi32>, vector<16xi32>], vector<16xf32>,
        %mul3A_489 = arith.mulf %gather3A_487, %gather3A_488 : vector<16xf32>
        %add3A_490 = arith.addf %scan3A_474, %mul3A_489 : vector<16xf32>
        %gather3A_491 = tpu.vector_load_idx %arg9[%add3A_16, %and3A_479] : memref<64x128xf32, #tpu.memory_space<vmem>>[vector<16xi32>, vector<16xi32>], vector<16xf32>,
        %gather3A_492 = tpu.vector_load_idx %arg16[%add3A_16, %and3A_479] : memref<64x128xf32, #tpu.memory_space<vmem>>[vector<16xi32>, vector<16xi32>], vector<16xf32>,
        %mul3A_493 = arith.mulf %gather3A_491, %gather3A_492 : vector<16xf32>
        %add3A_494 = arith.addf %scan3A_475, %mul3A_493 : vector<16xf32>
        scf.yield %add3A_482, %add3A_486, %add3A_490, %add3A_494 : vector<16xf32>, vector<16xf32>, vector<16xf32>, vector<16xf32>
      }
      %scan3A_279 = arith.constant 128 : i32
      %swap3A_280 = arith.constant 0 : index
      %swap3A_281 = tpu.vector_load %arg37[%swap3A_280] {strides = array<i32>} : memref<64xf32, #tpu.memory_space<vmem>>, vector<16xf32>,
      tpu.vector_store %arg37[%swap3A_280], %scan3A_278#0 {strides = array<i32>} : memref<64xf32, #tpu.memory_space<vmem>>, vector<16xf32>,
      %swap3A_282 = arith.constant 16 : index
      %swap3A_283 = tpu.vector_load %arg37[%swap3A_282] {strides = array<i32>} : memref<64xf32, #tpu.memory_space<vmem>>, vector<16xf32>,
      tpu.vector_store %arg37[%swap3A_282], %scan3A_278#1 {strides = array<i32>} : memref<64xf32, #tpu.memory_space<vmem>>, vector<16xf32>,
      %swap3A_284 = arith.constant 32 : index
      %swap3A_285 = tpu.vector_load %arg37[%swap3A_284] {strides = array<i32>} : memref<64xf32, #tpu.memory_space<vmem>>, vector<16xf32>,
      tpu.vector_store %arg37[%swap3A_284], %scan3A_278#2 {strides = array<i32>} : memref<64xf32, #tpu.memory_space<vmem>>, vector<16xf32>,
      %swap3A_286 = arith.constant 48 : index
      %swap3A_287 = tpu.vector_load %arg37[%swap3A_286] {strides = array<i32>} : memref<64xf32, #tpu.memory_space<vmem>>, vector<16xf32>,
      tpu.vector_store %arg37[%swap3A_286], %scan3A_278#3 {strides = array<i32>} : memref<64xf32, #tpu.memory_space<vmem>>, vector<16xf32>,
      %mul3A_288 = arith.constant 64 : i32
      %mul3A_289 = arith.muli %add3A_249, %mul3A_288 : i32
      %add3A_290 = arith.addi %mul3A_4, %mul3A_289 : i32
      "tpu.region"() ({
        %run_scoped3A = tpu.sem_alloc : memref<!tpu.dma_semaphore, #tpu.memory_space<semaphore_mem>>
        %dma_start3A_471 = tpu.memref_slice %arg6[%add3A_290] : memref<501760xf32, #tpu.memory_space<hbm>> -> memref<64xf32, #tpu.memory_space<hbm>>
        %dma_start3A_472 = tpu.memref_slice %arg6[%add3A_290] : memref<501760xf32, #tpu.memory_space<hbm>> -> memref<64xf32, #tpu.memory_space<hbm>>
        tpu.enqueue_dma source(%arg37 : memref<64xf32, #tpu.memory_space<vmem>>) target(%dma_start3A_472 : memref<64xf32, #tpu.memory_space<hbm>>) target_semaphore(%run_scoped3A : memref<!tpu.dma_semaphore, #tpu.memory_space<semaphore_mem>>)
        %dma_wait3A_473 = tpu.memref_slice %arg6[%add3A_290] : memref<501760xf32, #tpu.memory_space<hbm>> -> memref<64xf32, #tpu.memory_space<hbm>>
        %dma_wait3A_474 = tpu.memref_slice %arg6[%add3A_290] : memref<501760xf32, #tpu.memory_space<hbm>> -> memref<64xf32, #tpu.memory_space<hbm>>
        tpu.wait_dma2 semaphore(%run_scoped3A : memref<!tpu.dma_semaphore, #tpu.memory_space<semaphore_mem>>) src(%arg37 : memref<64xf32, #tpu.memory_space<vmem>>) dst(%dma_wait3A_474 : memref<64xf32, #tpu.memory_space<hbm>>)
        tpu.yield
      }) : () -> ()
      %mul3A_291 = arith.constant 7 : i32
      %mul3A_292 = arith.muli %scan3A_160, %mul3A_291 : i32
      %add3A_293 = arith.constant 3 : i32
      %add3A_294 = arith.addi %mul3A_292, %add3A_293 : i32
      %add3A_295 = arith.constant 6 : i32
      %add3A_296 = arith.addi %add3A_294, %add3A_295 : i32
      %lt3A_297 = arith.constant 245 : i32
      %lt3A_298 = arith.cmpi slt, %add3A_296, %lt3A_297 : i32
      %convert_element_type3A_299 = arith.extui %lt3A_298 : i1 to i32
      %cond3A_300 = arith.constant 0 : i32
      %cond3A_301 = arith.cmpi ne, %convert_element_type3A_299, %cond3A_300 : i32
      scf.if %cond3A_301 {
        %add3A_471 = arith.constant 6 : i32
        %add3A_472 = arith.addi %add3A_294, %add3A_471 : i32
        %mul3A_473 = arith.constant 64 : i32
        %mul3A_474 = arith.muli %add3A_472, %mul3A_473 : i32
        %add3A_475 = arith.addi %mul3A_4, %mul3A_474 : i32
        %dma_wait3A_476 = tpu.memref_slice %arg4[%add3A_475] : memref<501760xi32, #tpu.memory_space<hbm>> -> memref<64xi32, #tpu.memory_space<hbm>>
        %dma_wait3A_477 = tpu.memref_slice %arg4[%add3A_475] : memref<501760xi32, #tpu.memory_space<hbm>> -> memref<64xi32, #tpu.memory_space<hbm>>
        tpu.wait_dma2 semaphore(%arg58 : memref<!tpu.dma_semaphore, #tpu.memory_space<semaphore_mem>>) src(%dma_wait3A_477 : memref<64xi32, #tpu.memory_space<hbm>>) dst(%arg23 : memref<64xi32, #tpu.memory_space<vmem>>)
        %mul3A_478 = arith.constant 64 : i32
        %mul3A_479 = arith.muli %add3A_472, %mul3A_478 : i32
        %add3A_480 = arith.addi %mul3A_4, %mul3A_479 : i32
        %dma_wait3A_481 = tpu.memref_slice %arg5[%add3A_480] : memref<501760xi32, #tpu.memory_space<hbm>> -> memref<64xi32, #tpu.memory_space<hbm>>
        %dma_wait3A_482 = tpu.memref_slice %arg5[%add3A_480] : memref<501760xi32, #tpu.memory_space<hbm>> -> memref<64xi32, #tpu.memory_space<hbm>>
        tpu.wait_dma2 semaphore(%arg65 : memref<!tpu.dma_semaphore, #tpu.memory_space<semaphore_mem>>) src(%dma_wait3A_482 : memref<64xi32, #tpu.memory_space<hbm>>) dst(%arg30 : memref<64xi32, #tpu.memory_space<vmem>>)
        %dma_start3A_483 = arith.constant 0 : i32
        %dma_start3A_484 = arith.constant 0 : i32
        %dma_start3A_485 = tpu.memref_slice %arg2[%dma_start3A_483, %dma_start3A_484] : memref<100000x128xf32, #tpu.memory_space<hbm>> -> memref<100000x128xf32, #tpu.memory_space<hbm>>
        tpu.enqueue_indirect_dma source(%dma_start3A_485 : memref<100000x128xf32, #tpu.memory_space<hbm>>) target(%arg9 : memref<64x128xf32, #tpu.memory_space<vmem>>) offsets(%arg23 : memref<64xi32, #tpu.memory_space<vmem>>) semaphore(%arg44 : memref<!tpu.dma_semaphore, #tpu.memory_space<semaphore_mem>>)
        %dma_start3A_486 = arith.constant 0 : i32
        %dma_start3A_487 = arith.constant 0 : i32
        %dma_start3A_488 = tpu.memref_slice %arg3[%dma_start3A_486, %dma_start3A_487] : memref<100000x128xf32, #tpu.memory_space<hbm>> -> memref<100000x128xf32, #tpu.memory_space<hbm>>
        tpu.enqueue_indirect_dma source(%dma_start3A_488 : memref<100000x128xf32, #tpu.memory_space<hbm>>) target(%arg16 : memref<64x128xf32, #tpu.memory_space<vmem>>) offsets(%arg30 : memref<64xi32, #tpu.memory_space<vmem>>) semaphore(%arg51 : memref<!tpu.dma_semaphore, #tpu.memory_space<semaphore_mem>>)
      } else {
      }
      %add3A_302 = arith.constant 6 : i32
      %add3A_303 = arith.addi %add3A_294, %add3A_302 : i32
      %add3A_304 = arith.constant 1 : i32
      %add3A_305 = arith.addi %add3A_303, %add3A_304 : i32
      %lt3A_306 = arith.constant 245 : i32
      %lt3A_307 = arith.cmpi slt, %add3A_305, %lt3A_306 : i32
      %convert_element_type3A_308 = arith.extui %lt3A_307 : i1 to i32
      %cond3A_309 = arith.constant 0 : i32
      %cond3A_310 = arith.cmpi ne, %convert_element_type3A_308, %cond3A_309 : i32
      scf.if %cond3A_310 {
        %add3A_471 = arith.constant 6 : i32
        %add3A_472 = arith.addi %add3A_294, %add3A_471 : i32
        %add3A_473 = arith.constant 1 : i32
        %add3A_474 = arith.addi %add3A_472, %add3A_473 : i32
        %mul3A_475 = arith.constant 64 : i32
        %mul3A_476 = arith.muli %add3A_474, %mul3A_475 : i32
        %add3A_477 = arith.addi %mul3A_4, %mul3A_476 : i32
        %dma_start3A_478 = tpu.memref_slice %arg4[%add3A_477] : memref<501760xi32, #tpu.memory_space<hbm>> -> memref<64xi32, #tpu.memory_space<hbm>>
        %dma_start3A_479 = tpu.memref_slice %arg4[%add3A_477] : memref<501760xi32, #tpu.memory_space<hbm>> -> memref<64xi32, #tpu.memory_space<hbm>>
        tpu.enqueue_dma source(%dma_start3A_479 : memref<64xi32, #tpu.memory_space<hbm>>) target(%arg24 : memref<64xi32, #tpu.memory_space<vmem>>) target_semaphore(%arg59 : memref<!tpu.dma_semaphore, #tpu.memory_space<semaphore_mem>>)
        %mul3A_480 = arith.constant 64 : i32
        %mul3A_481 = arith.muli %add3A_474, %mul3A_480 : i32
        %add3A_482 = arith.addi %mul3A_4, %mul3A_481 : i32
        %dma_start3A_483 = tpu.memref_slice %arg5[%add3A_482] : memref<501760xi32, #tpu.memory_space<hbm>> -> memref<64xi32, #tpu.memory_space<hbm>>
        %dma_start3A_484 = tpu.memref_slice %arg5[%add3A_482] : memref<501760xi32, #tpu.memory_space<hbm>> -> memref<64xi32, #tpu.memory_space<hbm>>
        tpu.enqueue_dma source(%dma_start3A_484 : memref<64xi32, #tpu.memory_space<hbm>>) target(%arg31 : memref<64xi32, #tpu.memory_space<vmem>>) target_semaphore(%arg66 : memref<!tpu.dma_semaphore, #tpu.memory_space<semaphore_mem>>)
      } else {
      }
      %dma_wait3A_311 = arith.constant 0 : i32
      %dma_wait3A_312 = arith.constant 0 : i32
      %dma_wait3A_313 = tpu.memref_slice %arg2[%dma_wait3A_311, %dma_wait3A_312] : memref<100000x128xf32, #tpu.memory_space<hbm>> -> memref<100000x128xf32, #tpu.memory_space<hbm>>
      tpu.wait_indirect_dma semaphore(%arg45 : memref<!tpu.dma_semaphore, #tpu.memory_space<semaphore_mem>>) src(%dma_wait3A_313 : memref<100000x128xf32, #tpu.memory_space<hbm>>) dst(%arg10 : memref<64x128xf32, #tpu.memory_space<vmem>>)
      %dma_wait3A_314 = arith.constant 0 : i32
      %dma_wait3A_315 = arith.constant 0 : i32
      %dma_wait3A_316 = tpu.memref_slice %arg3[%dma_wait3A_314, %dma_wait3A_315] : memref<100000x128xf32, #tpu.memory_space<hbm>> -> memref<100000x128xf32, #tpu.memory_space<hbm>>
      tpu.wait_indirect_dma semaphore(%arg52 : memref<!tpu.dma_semaphore, #tpu.memory_space<semaphore_mem>>) src(%dma_wait3A_316 : memref<100000x128xf32, #tpu.memory_space<hbm>>) dst(%arg17 : memref<64x128xf32, #tpu.memory_space<vmem>>)
      %broadcast_in_dim3A_317 = arith.constant 0.000000e+00 : f32
      %broadcast_in_dim3A_318 = vector.broadcast %broadcast_in_dim3A_317 : f32 to vector<16xf32>
      %scan3A_319 = arith.constant 0 : i32
      %scan3A_320 = arith.constant 128 : i32
      %scan3A_321 = arith.addi %scan3A_319, %scan3A_320 : i32
      %scan3A_322 = arith.constant 1 : i32
      %scan3A_323:4 = scf.for %scan3A_471 = %scan3A_319 to %scan3A_321 step %scan3A_322 iter_args(%scan3A_472 = %broadcast_in_dim3A_318, %scan3A_473 = %broadcast_in_dim3A_318, %scan3A_474 = %broadcast_in_dim3A_318, %scan3A_475 = %broadcast_in_dim3A_318) -> (vector<16xf32>, vector<16xf32>, vector<16xf32>, vector<16xf32>)  : i32 {
        %add3A_476 = vector.broadcast %scan3A_471 : i32 to vector<16xi32>
        %add3A_477 = arith.addi %iota3A, %add3A_476 : vector<16xi32>
        %and3A = arith.constant 127 : i32
        %and3A_478 = vector.broadcast %and3A : i32 to vector<16xi32>
        %and3A_479 = arith.andi %add3A_477, %and3A_478 : vector<16xi32>
        %gather3A = tpu.vector_load_idx %arg10[%add3A_7, %and3A_479] : memref<64x128xf32, #tpu.memory_space<vmem>>[vector<16xi32>, vector<16xi32>], vector<16xf32>,
        %gather3A_480 = tpu.vector_load_idx %arg17[%add3A_7, %and3A_479] : memref<64x128xf32, #tpu.memory_space<vmem>>[vector<16xi32>, vector<16xi32>], vector<16xf32>,
        %mul3A_481 = arith.mulf %gather3A, %gather3A_480 : vector<16xf32>
        %add3A_482 = arith.addf %scan3A_472, %mul3A_481 : vector<16xf32>
        %gather3A_483 = tpu.vector_load_idx %arg10[%add3A_10, %and3A_479] : memref<64x128xf32, #tpu.memory_space<vmem>>[vector<16xi32>, vector<16xi32>], vector<16xf32>,
        %gather3A_484 = tpu.vector_load_idx %arg17[%add3A_10, %and3A_479] : memref<64x128xf32, #tpu.memory_space<vmem>>[vector<16xi32>, vector<16xi32>], vector<16xf32>,
        %mul3A_485 = arith.mulf %gather3A_483, %gather3A_484 : vector<16xf32>
        %add3A_486 = arith.addf %scan3A_473, %mul3A_485 : vector<16xf32>
        %gather3A_487 = tpu.vector_load_idx %arg10[%add3A_13, %and3A_479] : memref<64x128xf32, #tpu.memory_space<vmem>>[vector<16xi32>, vector<16xi32>], vector<16xf32>,
        %gather3A_488 = tpu.vector_load_idx %arg17[%add3A_13, %and3A_479] : memref<64x128xf32, #tpu.memory_space<vmem>>[vector<16xi32>, vector<16xi32>], vector<16xf32>,
        %mul3A_489 = arith.mulf %gather3A_487, %gather3A_488 : vector<16xf32>
        %add3A_490 = arith.addf %scan3A_474, %mul3A_489 : vector<16xf32>
        %gather3A_491 = tpu.vector_load_idx %arg10[%add3A_16, %and3A_479] : memref<64x128xf32, #tpu.memory_space<vmem>>[vector<16xi32>, vector<16xi32>], vector<16xf32>,
        %gather3A_492 = tpu.vector_load_idx %arg17[%add3A_16, %and3A_479] : memref<64x128xf32, #tpu.memory_space<vmem>>[vector<16xi32>, vector<16xi32>], vector<16xf32>,
        %mul3A_493 = arith.mulf %gather3A_491, %gather3A_492 : vector<16xf32>
        %add3A_494 = arith.addf %scan3A_475, %mul3A_493 : vector<16xf32>
        scf.yield %add3A_482, %add3A_486, %add3A_490, %add3A_494 : vector<16xf32>, vector<16xf32>, vector<16xf32>, vector<16xf32>
      }
      %scan3A_324 = arith.constant 128 : i32
      %swap3A_325 = arith.constant 0 : index
      %swap3A_326 = tpu.vector_load %arg38[%swap3A_325] {strides = array<i32>} : memref<64xf32, #tpu.memory_space<vmem>>, vector<16xf32>,
      tpu.vector_store %arg38[%swap3A_325], %scan3A_323#0 {strides = array<i32>} : memref<64xf32, #tpu.memory_space<vmem>>, vector<16xf32>,
      %swap3A_327 = arith.constant 16 : index
      %swap3A_328 = tpu.vector_load %arg38[%swap3A_327] {strides = array<i32>} : memref<64xf32, #tpu.memory_space<vmem>>, vector<16xf32>,
      tpu.vector_store %arg38[%swap3A_327], %scan3A_323#1 {strides = array<i32>} : memref<64xf32, #tpu.memory_space<vmem>>, vector<16xf32>,
      %swap3A_329 = arith.constant 32 : index
      %swap3A_330 = tpu.vector_load %arg38[%swap3A_329] {strides = array<i32>} : memref<64xf32, #tpu.memory_space<vmem>>, vector<16xf32>,
      tpu.vector_store %arg38[%swap3A_329], %scan3A_323#2 {strides = array<i32>} : memref<64xf32, #tpu.memory_space<vmem>>, vector<16xf32>,
      %swap3A_331 = arith.constant 48 : index
      %swap3A_332 = tpu.vector_load %arg38[%swap3A_331] {strides = array<i32>} : memref<64xf32, #tpu.memory_space<vmem>>, vector<16xf32>,
      tpu.vector_store %arg38[%swap3A_331], %scan3A_323#3 {strides = array<i32>} : memref<64xf32, #tpu.memory_space<vmem>>, vector<16xf32>,
      %mul3A_333 = arith.constant 64 : i32
      %mul3A_334 = arith.muli %add3A_294, %mul3A_333 : i32
      %add3A_335 = arith.addi %mul3A_4, %mul3A_334 : i32
      "tpu.region"() ({
        %run_scoped3A = tpu.sem_alloc : memref<!tpu.dma_semaphore, #tpu.memory_space<semaphore_mem>>
        %dma_start3A_471 = tpu.memref_slice %arg6[%add3A_335] : memref<501760xf32, #tpu.memory_space<hbm>> -> memref<64xf32, #tpu.memory_space<hbm>>
        %dma_start3A_472 = tpu.memref_slice %arg6[%add3A_335] : memref<501760xf32, #tpu.memory_space<hbm>> -> memref<64xf32, #tpu.memory_space<hbm>>
        tpu.enqueue_dma source(%arg38 : memref<64xf32, #tpu.memory_space<vmem>>) target(%dma_start3A_472 : memref<64xf32, #tpu.memory_space<hbm>>) target_semaphore(%run_scoped3A : memref<!tpu.dma_semaphore, #tpu.memory_space<semaphore_mem>>)
        %dma_wait3A_473 = tpu.memref_slice %arg6[%add3A_335] : memref<501760xf32, #tpu.memory_space<hbm>> -> memref<64xf32, #tpu.memory_space<hbm>>
        %dma_wait3A_474 = tpu.memref_slice %arg6[%add3A_335] : memref<501760xf32, #tpu.memory_space<hbm>> -> memref<64xf32, #tpu.memory_space<hbm>>
        tpu.wait_dma2 semaphore(%run_scoped3A : memref<!tpu.dma_semaphore, #tpu.memory_space<semaphore_mem>>) src(%arg38 : memref<64xf32, #tpu.memory_space<vmem>>) dst(%dma_wait3A_474 : memref<64xf32, #tpu.memory_space<hbm>>)
        tpu.yield
      }) : () -> ()
      %mul3A_336 = arith.constant 7 : i32
      %mul3A_337 = arith.muli %scan3A_160, %mul3A_336 : i32
      %add3A_338 = arith.constant 4 : i32
      %add3A_339 = arith.addi %mul3A_337, %add3A_338 : i32
      %add3A_340 = arith.constant 6 : i32
      %add3A_341 = arith.addi %add3A_339, %add3A_340 : i32
      %lt3A_342 = arith.constant 245 : i32
      %lt3A_343 = arith.cmpi slt, %add3A_341, %lt3A_342 : i32
      %convert_element_type3A_344 = arith.extui %lt3A_343 : i1 to i32
      %cond3A_345 = arith.constant 0 : i32
      %cond3A_346 = arith.cmpi ne, %convert_element_type3A_344, %cond3A_345 : i32
      scf.if %cond3A_346 {
        %add3A_471 = arith.constant 6 : i32
        %add3A_472 = arith.addi %add3A_339, %add3A_471 : i32
        %mul3A_473 = arith.constant 64 : i32
        %mul3A_474 = arith.muli %add3A_472, %mul3A_473 : i32
        %add3A_475 = arith.addi %mul3A_4, %mul3A_474 : i32
        %dma_wait3A_476 = tpu.memref_slice %arg4[%add3A_475] : memref<501760xi32, #tpu.memory_space<hbm>> -> memref<64xi32, #tpu.memory_space<hbm>>
        %dma_wait3A_477 = tpu.memref_slice %arg4[%add3A_475] : memref<501760xi32, #tpu.memory_space<hbm>> -> memref<64xi32, #tpu.memory_space<hbm>>
        tpu.wait_dma2 semaphore(%arg59 : memref<!tpu.dma_semaphore, #tpu.memory_space<semaphore_mem>>) src(%dma_wait3A_477 : memref<64xi32, #tpu.memory_space<hbm>>) dst(%arg24 : memref<64xi32, #tpu.memory_space<vmem>>)
        %mul3A_478 = arith.constant 64 : i32
        %mul3A_479 = arith.muli %add3A_472, %mul3A_478 : i32
        %add3A_480 = arith.addi %mul3A_4, %mul3A_479 : i32
        %dma_wait3A_481 = tpu.memref_slice %arg5[%add3A_480] : memref<501760xi32, #tpu.memory_space<hbm>> -> memref<64xi32, #tpu.memory_space<hbm>>
        %dma_wait3A_482 = tpu.memref_slice %arg5[%add3A_480] : memref<501760xi32, #tpu.memory_space<hbm>> -> memref<64xi32, #tpu.memory_space<hbm>>
        tpu.wait_dma2 semaphore(%arg66 : memref<!tpu.dma_semaphore, #tpu.memory_space<semaphore_mem>>) src(%dma_wait3A_482 : memref<64xi32, #tpu.memory_space<hbm>>) dst(%arg31 : memref<64xi32, #tpu.memory_space<vmem>>)
        %dma_start3A_483 = arith.constant 0 : i32
        %dma_start3A_484 = arith.constant 0 : i32
        %dma_start3A_485 = tpu.memref_slice %arg2[%dma_start3A_483, %dma_start3A_484] : memref<100000x128xf32, #tpu.memory_space<hbm>> -> memref<100000x128xf32, #tpu.memory_space<hbm>>
        tpu.enqueue_indirect_dma source(%dma_start3A_485 : memref<100000x128xf32, #tpu.memory_space<hbm>>) target(%arg10 : memref<64x128xf32, #tpu.memory_space<vmem>>) offsets(%arg24 : memref<64xi32, #tpu.memory_space<vmem>>) semaphore(%arg45 : memref<!tpu.dma_semaphore, #tpu.memory_space<semaphore_mem>>)
        %dma_start3A_486 = arith.constant 0 : i32
        %dma_start3A_487 = arith.constant 0 : i32
        %dma_start3A_488 = tpu.memref_slice %arg3[%dma_start3A_486, %dma_start3A_487] : memref<100000x128xf32, #tpu.memory_space<hbm>> -> memref<100000x128xf32, #tpu.memory_space<hbm>>
        tpu.enqueue_indirect_dma source(%dma_start3A_488 : memref<100000x128xf32, #tpu.memory_space<hbm>>) target(%arg17 : memref<64x128xf32, #tpu.memory_space<vmem>>) offsets(%arg31 : memref<64xi32, #tpu.memory_space<vmem>>) semaphore(%arg52 : memref<!tpu.dma_semaphore, #tpu.memory_space<semaphore_mem>>)
      } else {
      }
      %add3A_347 = arith.constant 6 : i32
      %add3A_348 = arith.addi %add3A_339, %add3A_347 : i32
      %add3A_349 = arith.constant 1 : i32
      %add3A_350 = arith.addi %add3A_348, %add3A_349 : i32
      %lt3A_351 = arith.constant 245 : i32
      %lt3A_352 = arith.cmpi slt, %add3A_350, %lt3A_351 : i32
      %convert_element_type3A_353 = arith.extui %lt3A_352 : i1 to i32
      %cond3A_354 = arith.constant 0 : i32
      %cond3A_355 = arith.cmpi ne, %convert_element_type3A_353, %cond3A_354 : i32
      scf.if %cond3A_355 {
        %add3A_471 = arith.constant 6 : i32
        %add3A_472 = arith.addi %add3A_339, %add3A_471 : i32
        %add3A_473 = arith.constant 1 : i32
        %add3A_474 = arith.addi %add3A_472, %add3A_473 : i32
        %mul3A_475 = arith.constant 64 : i32
        %mul3A_476 = arith.muli %add3A_474, %mul3A_475 : i32
        %add3A_477 = arith.addi %mul3A_4, %mul3A_476 : i32
        %dma_start3A_478 = tpu.memref_slice %arg4[%add3A_477] : memref<501760xi32, #tpu.memory_space<hbm>> -> memref<64xi32, #tpu.memory_space<hbm>>
        %dma_start3A_479 = tpu.memref_slice %arg4[%add3A_477] : memref<501760xi32, #tpu.memory_space<hbm>> -> memref<64xi32, #tpu.memory_space<hbm>>
        tpu.enqueue_dma source(%dma_start3A_479 : memref<64xi32, #tpu.memory_space<hbm>>) target(%arg25 : memref<64xi32, #tpu.memory_space<vmem>>) target_semaphore(%arg60 : memref<!tpu.dma_semaphore, #tpu.memory_space<semaphore_mem>>)
        %mul3A_480 = arith.constant 64 : i32
        %mul3A_481 = arith.muli %add3A_474, %mul3A_480 : i32
        %add3A_482 = arith.addi %mul3A_4, %mul3A_481 : i32
        %dma_start3A_483 = tpu.memref_slice %arg5[%add3A_482] : memref<501760xi32, #tpu.memory_space<hbm>> -> memref<64xi32, #tpu.memory_space<hbm>>
        %dma_start3A_484 = tpu.memref_slice %arg5[%add3A_482] : memref<501760xi32, #tpu.memory_space<hbm>> -> memref<64xi32, #tpu.memory_space<hbm>>
        tpu.enqueue_dma source(%dma_start3A_484 : memref<64xi32, #tpu.memory_space<hbm>>) target(%arg32 : memref<64xi32, #tpu.memory_space<vmem>>) target_semaphore(%arg67 : memref<!tpu.dma_semaphore, #tpu.memory_space<semaphore_mem>>)
      } else {
      }
      %dma_wait3A_356 = arith.constant 0 : i32
      %dma_wait3A_357 = arith.constant 0 : i32
      %dma_wait3A_358 = tpu.memref_slice %arg2[%dma_wait3A_356, %dma_wait3A_357] : memref<100000x128xf32, #tpu.memory_space<hbm>> -> memref<100000x128xf32, #tpu.memory_space<hbm>>
      tpu.wait_indirect_dma semaphore(%arg46 : memref<!tpu.dma_semaphore, #tpu.memory_space<semaphore_mem>>) src(%dma_wait3A_358 : memref<100000x128xf32, #tpu.memory_space<hbm>>) dst(%arg11 : memref<64x128xf32, #tpu.memory_space<vmem>>)
      %dma_wait3A_359 = arith.constant 0 : i32
      %dma_wait3A_360 = arith.constant 0 : i32
      %dma_wait3A_361 = tpu.memref_slice %arg3[%dma_wait3A_359, %dma_wait3A_360] : memref<100000x128xf32, #tpu.memory_space<hbm>> -> memref<100000x128xf32, #tpu.memory_space<hbm>>
      tpu.wait_indirect_dma semaphore(%arg53 : memref<!tpu.dma_semaphore, #tpu.memory_space<semaphore_mem>>) src(%dma_wait3A_361 : memref<100000x128xf32, #tpu.memory_space<hbm>>) dst(%arg18 : memref<64x128xf32, #tpu.memory_space<vmem>>)
      %broadcast_in_dim3A_362 = arith.constant 0.000000e+00 : f32
      %broadcast_in_dim3A_363 = vector.broadcast %broadcast_in_dim3A_362 : f32 to vector<16xf32>
      %scan3A_364 = arith.constant 0 : i32
      %scan3A_365 = arith.constant 128 : i32
      %scan3A_366 = arith.addi %scan3A_364, %scan3A_365 : i32
      %scan3A_367 = arith.constant 1 : i32
      %scan3A_368:4 = scf.for %scan3A_471 = %scan3A_364 to %scan3A_366 step %scan3A_367 iter_args(%scan3A_472 = %broadcast_in_dim3A_363, %scan3A_473 = %broadcast_in_dim3A_363, %scan3A_474 = %broadcast_in_dim3A_363, %scan3A_475 = %broadcast_in_dim3A_363) -> (vector<16xf32>, vector<16xf32>, vector<16xf32>, vector<16xf32>)  : i32 {
        %add3A_476 = vector.broadcast %scan3A_471 : i32 to vector<16xi32>
        %add3A_477 = arith.addi %iota3A, %add3A_476 : vector<16xi32>
        %and3A = arith.constant 127 : i32
        %and3A_478 = vector.broadcast %and3A : i32 to vector<16xi32>
        %and3A_479 = arith.andi %add3A_477, %and3A_478 : vector<16xi32>
        %gather3A = tpu.vector_load_idx %arg11[%add3A_7, %and3A_479] : memref<64x128xf32, #tpu.memory_space<vmem>>[vector<16xi32>, vector<16xi32>], vector<16xf32>,
        %gather3A_480 = tpu.vector_load_idx %arg18[%add3A_7, %and3A_479] : memref<64x128xf32, #tpu.memory_space<vmem>>[vector<16xi32>, vector<16xi32>], vector<16xf32>,
        %mul3A_481 = arith.mulf %gather3A, %gather3A_480 : vector<16xf32>
        %add3A_482 = arith.addf %scan3A_472, %mul3A_481 : vector<16xf32>
        %gather3A_483 = tpu.vector_load_idx %arg11[%add3A_10, %and3A_479] : memref<64x128xf32, #tpu.memory_space<vmem>>[vector<16xi32>, vector<16xi32>], vector<16xf32>,
        %gather3A_484 = tpu.vector_load_idx %arg18[%add3A_10, %and3A_479] : memref<64x128xf32, #tpu.memory_space<vmem>>[vector<16xi32>, vector<16xi32>], vector<16xf32>,
        %mul3A_485 = arith.mulf %gather3A_483, %gather3A_484 : vector<16xf32>
        %add3A_486 = arith.addf %scan3A_473, %mul3A_485 : vector<16xf32>
        %gather3A_487 = tpu.vector_load_idx %arg11[%add3A_13, %and3A_479] : memref<64x128xf32, #tpu.memory_space<vmem>>[vector<16xi32>, vector<16xi32>], vector<16xf32>,
        %gather3A_488 = tpu.vector_load_idx %arg18[%add3A_13, %and3A_479] : memref<64x128xf32, #tpu.memory_space<vmem>>[vector<16xi32>, vector<16xi32>], vector<16xf32>,
        %mul3A_489 = arith.mulf %gather3A_487, %gather3A_488 : vector<16xf32>
        %add3A_490 = arith.addf %scan3A_474, %mul3A_489 : vector<16xf32>
        %gather3A_491 = tpu.vector_load_idx %arg11[%add3A_16, %and3A_479] : memref<64x128xf32, #tpu.memory_space<vmem>>[vector<16xi32>, vector<16xi32>], vector<16xf32>,
        %gather3A_492 = tpu.vector_load_idx %arg18[%add3A_16, %and3A_479] : memref<64x128xf32, #tpu.memory_space<vmem>>[vector<16xi32>, vector<16xi32>], vector<16xf32>,
        %mul3A_493 = arith.mulf %gather3A_491, %gather3A_492 : vector<16xf32>
        %add3A_494 = arith.addf %scan3A_475, %mul3A_493 : vector<16xf32>
        scf.yield %add3A_482, %add3A_486, %add3A_490, %add3A_494 : vector<16xf32>, vector<16xf32>, vector<16xf32>, vector<16xf32>
      }
      %scan3A_369 = arith.constant 128 : i32
      %swap3A_370 = arith.constant 0 : index
      %swap3A_371 = tpu.vector_load %arg39[%swap3A_370] {strides = array<i32>} : memref<64xf32, #tpu.memory_space<vmem>>, vector<16xf32>,
      tpu.vector_store %arg39[%swap3A_370], %scan3A_368#0 {strides = array<i32>} : memref<64xf32, #tpu.memory_space<vmem>>, vector<16xf32>,
      %swap3A_372 = arith.constant 16 : index
      %swap3A_373 = tpu.vector_load %arg39[%swap3A_372] {strides = array<i32>} : memref<64xf32, #tpu.memory_space<vmem>>, vector<16xf32>,
      tpu.vector_store %arg39[%swap3A_372], %scan3A_368#1 {strides = array<i32>} : memref<64xf32, #tpu.memory_space<vmem>>, vector<16xf32>,
      %swap3A_374 = arith.constant 32 : index
      %swap3A_375 = tpu.vector_load %arg39[%swap3A_374] {strides = array<i32>} : memref<64xf32, #tpu.memory_space<vmem>>, vector<16xf32>,
      tpu.vector_store %arg39[%swap3A_374], %scan3A_368#2 {strides = array<i32>} : memref<64xf32, #tpu.memory_space<vmem>>, vector<16xf32>,
      %swap3A_376 = arith.constant 48 : index
      %swap3A_377 = tpu.vector_load %arg39[%swap3A_376] {strides = array<i32>} : memref<64xf32, #tpu.memory_space<vmem>>, vector<16xf32>,
      tpu.vector_store %arg39[%swap3A_376], %scan3A_368#3 {strides = array<i32>} : memref<64xf32, #tpu.memory_space<vmem>>, vector<16xf32>,
      %mul3A_378 = arith.constant 64 : i32
      %mul3A_379 = arith.muli %add3A_339, %mul3A_378 : i32
      %add3A_380 = arith.addi %mul3A_4, %mul3A_379 : i32
      "tpu.region"() ({
        %run_scoped3A = tpu.sem_alloc : memref<!tpu.dma_semaphore, #tpu.memory_space<semaphore_mem>>
        %dma_start3A_471 = tpu.memref_slice %arg6[%add3A_380] : memref<501760xf32, #tpu.memory_space<hbm>> -> memref<64xf32, #tpu.memory_space<hbm>>
        %dma_start3A_472 = tpu.memref_slice %arg6[%add3A_380] : memref<501760xf32, #tpu.memory_space<hbm>> -> memref<64xf32, #tpu.memory_space<hbm>>
        tpu.enqueue_dma source(%arg39 : memref<64xf32, #tpu.memory_space<vmem>>) target(%dma_start3A_472 : memref<64xf32, #tpu.memory_space<hbm>>) target_semaphore(%run_scoped3A : memref<!tpu.dma_semaphore, #tpu.memory_space<semaphore_mem>>)
        %dma_wait3A_473 = tpu.memref_slice %arg6[%add3A_380] : memref<501760xf32, #tpu.memory_space<hbm>> -> memref<64xf32, #tpu.memory_space<hbm>>
        %dma_wait3A_474 = tpu.memref_slice %arg6[%add3A_380] : memref<501760xf32, #tpu.memory_space<hbm>> -> memref<64xf32, #tpu.memory_space<hbm>>
        tpu.wait_dma2 semaphore(%run_scoped3A : memref<!tpu.dma_semaphore, #tpu.memory_space<semaphore_mem>>) src(%arg39 : memref<64xf32, #tpu.memory_space<vmem>>) dst(%dma_wait3A_474 : memref<64xf32, #tpu.memory_space<hbm>>)
        tpu.yield
      }) : () -> ()
      %mul3A_381 = arith.constant 7 : i32
      %mul3A_382 = arith.muli %scan3A_160, %mul3A_381 : i32
      %add3A_383 = arith.constant 5 : i32
      %add3A_384 = arith.addi %mul3A_382, %add3A_383 : i32
      %add3A_385 = arith.constant 6 : i32
      %add3A_386 = arith.addi %add3A_384, %add3A_385 : i32
      %lt3A_387 = arith.constant 245 : i32
      %lt3A_388 = arith.cmpi slt, %add3A_386, %lt3A_387 : i32
      %convert_element_type3A_389 = arith.extui %lt3A_388 : i1 to i32
      %cond3A_390 = arith.constant 0 : i32
      %cond3A_391 = arith.cmpi ne, %convert_element_type3A_389, %cond3A_390 : i32
      scf.if %cond3A_391 {
        %add3A_471 = arith.constant 6 : i32
        %add3A_472 = arith.addi %add3A_384, %add3A_471 : i32
        %mul3A_473 = arith.constant 64 : i32
        %mul3A_474 = arith.muli %add3A_472, %mul3A_473 : i32
        %add3A_475 = arith.addi %mul3A_4, %mul3A_474 : i32
        %dma_wait3A_476 = tpu.memref_slice %arg4[%add3A_475] : memref<501760xi32, #tpu.memory_space<hbm>> -> memref<64xi32, #tpu.memory_space<hbm>>
        %dma_wait3A_477 = tpu.memref_slice %arg4[%add3A_475] : memref<501760xi32, #tpu.memory_space<hbm>> -> memref<64xi32, #tpu.memory_space<hbm>>
        tpu.wait_dma2 semaphore(%arg60 : memref<!tpu.dma_semaphore, #tpu.memory_space<semaphore_mem>>) src(%dma_wait3A_477 : memref<64xi32, #tpu.memory_space<hbm>>) dst(%arg25 : memref<64xi32, #tpu.memory_space<vmem>>)
        %mul3A_478 = arith.constant 64 : i32
        %mul3A_479 = arith.muli %add3A_472, %mul3A_478 : i32
        %add3A_480 = arith.addi %mul3A_4, %mul3A_479 : i32
        %dma_wait3A_481 = tpu.memref_slice %arg5[%add3A_480] : memref<501760xi32, #tpu.memory_space<hbm>> -> memref<64xi32, #tpu.memory_space<hbm>>
        %dma_wait3A_482 = tpu.memref_slice %arg5[%add3A_480] : memref<501760xi32, #tpu.memory_space<hbm>> -> memref<64xi32, #tpu.memory_space<hbm>>
        tpu.wait_dma2 semaphore(%arg67 : memref<!tpu.dma_semaphore, #tpu.memory_space<semaphore_mem>>) src(%dma_wait3A_482 : memref<64xi32, #tpu.memory_space<hbm>>) dst(%arg32 : memref<64xi32, #tpu.memory_space<vmem>>)
        %dma_start3A_483 = arith.constant 0 : i32
        %dma_start3A_484 = arith.constant 0 : i32
        %dma_start3A_485 = tpu.memref_slice %arg2[%dma_start3A_483, %dma_start3A_484] : memref<100000x128xf32, #tpu.memory_space<hbm>> -> memref<100000x128xf32, #tpu.memory_space<hbm>>
        tpu.enqueue_indirect_dma source(%dma_start3A_485 : memref<100000x128xf32, #tpu.memory_space<hbm>>) target(%arg11 : memref<64x128xf32, #tpu.memory_space<vmem>>) offsets(%arg25 : memref<64xi32, #tpu.memory_space<vmem>>) semaphore(%arg46 : memref<!tpu.dma_semaphore, #tpu.memory_space<semaphore_mem>>)
        %dma_start3A_486 = arith.constant 0 : i32
        %dma_start3A_487 = arith.constant 0 : i32
        %dma_start3A_488 = tpu.memref_slice %arg3[%dma_start3A_486, %dma_start3A_487] : memref<100000x128xf32, #tpu.memory_space<hbm>> -> memref<100000x128xf32, #tpu.memory_space<hbm>>
        tpu.enqueue_indirect_dma source(%dma_start3A_488 : memref<100000x128xf32, #tpu.memory_space<hbm>>) target(%arg18 : memref<64x128xf32, #tpu.memory_space<vmem>>) offsets(%arg32 : memref<64xi32, #tpu.memory_space<vmem>>) semaphore(%arg53 : memref<!tpu.dma_semaphore, #tpu.memory_space<semaphore_mem>>)
      } else {
      }
      %add3A_392 = arith.constant 6 : i32
      %add3A_393 = arith.addi %add3A_384, %add3A_392 : i32
      %add3A_394 = arith.constant 1 : i32
      %add3A_395 = arith.addi %add3A_393, %add3A_394 : i32
      %lt3A_396 = arith.constant 245 : i32
      %lt3A_397 = arith.cmpi slt, %add3A_395, %lt3A_396 : i32
      %convert_element_type3A_398 = arith.extui %lt3A_397 : i1 to i32
      %cond3A_399 = arith.constant 0 : i32
      %cond3A_400 = arith.cmpi ne, %convert_element_type3A_398, %cond3A_399 : i32
      scf.if %cond3A_400 {
        %add3A_471 = arith.constant 6 : i32
        %add3A_472 = arith.addi %add3A_384, %add3A_471 : i32
        %add3A_473 = arith.constant 1 : i32
        %add3A_474 = arith.addi %add3A_472, %add3A_473 : i32
        %mul3A_475 = arith.constant 64 : i32
        %mul3A_476 = arith.muli %add3A_474, %mul3A_475 : i32
        %add3A_477 = arith.addi %mul3A_4, %mul3A_476 : i32
        %dma_start3A_478 = tpu.memref_slice %arg4[%add3A_477] : memref<501760xi32, #tpu.memory_space<hbm>> -> memref<64xi32, #tpu.memory_space<hbm>>
        %dma_start3A_479 = tpu.memref_slice %arg4[%add3A_477] : memref<501760xi32, #tpu.memory_space<hbm>> -> memref<64xi32, #tpu.memory_space<hbm>>
        tpu.enqueue_dma source(%dma_start3A_479 : memref<64xi32, #tpu.memory_space<hbm>>) target(%arg26 : memref<64xi32, #tpu.memory_space<vmem>>) target_semaphore(%arg61 : memref<!tpu.dma_semaphore, #tpu.memory_space<semaphore_mem>>)
        %mul3A_480 = arith.constant 64 : i32
        %mul3A_481 = arith.muli %add3A_474, %mul3A_480 : i32
        %add3A_482 = arith.addi %mul3A_4, %mul3A_481 : i32
        %dma_start3A_483 = tpu.memref_slice %arg5[%add3A_482] : memref<501760xi32, #tpu.memory_space<hbm>> -> memref<64xi32, #tpu.memory_space<hbm>>
        %dma_start3A_484 = tpu.memref_slice %arg5[%add3A_482] : memref<501760xi32, #tpu.memory_space<hbm>> -> memref<64xi32, #tpu.memory_space<hbm>>
        tpu.enqueue_dma source(%dma_start3A_484 : memref<64xi32, #tpu.memory_space<hbm>>) target(%arg33 : memref<64xi32, #tpu.memory_space<vmem>>) target_semaphore(%arg68 : memref<!tpu.dma_semaphore, #tpu.memory_space<semaphore_mem>>)
      } else {
      }
      %dma_wait3A_401 = arith.constant 0 : i32
      %dma_wait3A_402 = arith.constant 0 : i32
      %dma_wait3A_403 = tpu.memref_slice %arg2[%dma_wait3A_401, %dma_wait3A_402] : memref<100000x128xf32, #tpu.memory_space<hbm>> -> memref<100000x128xf32, #tpu.memory_space<hbm>>
      tpu.wait_indirect_dma semaphore(%arg47 : memref<!tpu.dma_semaphore, #tpu.memory_space<semaphore_mem>>) src(%dma_wait3A_403 : memref<100000x128xf32, #tpu.memory_space<hbm>>) dst(%arg12 : memref<64x128xf32, #tpu.memory_space<vmem>>)
      %dma_wait3A_404 = arith.constant 0 : i32
      %dma_wait3A_405 = arith.constant 0 : i32
      %dma_wait3A_406 = tpu.memref_slice %arg3[%dma_wait3A_404, %dma_wait3A_405] : memref<100000x128xf32, #tpu.memory_space<hbm>> -> memref<100000x128xf32, #tpu.memory_space<hbm>>
      tpu.wait_indirect_dma semaphore(%arg54 : memref<!tpu.dma_semaphore, #tpu.memory_space<semaphore_mem>>) src(%dma_wait3A_406 : memref<100000x128xf32, #tpu.memory_space<hbm>>) dst(%arg19 : memref<64x128xf32, #tpu.memory_space<vmem>>)
      %broadcast_in_dim3A_407 = arith.constant 0.000000e+00 : f32
      %broadcast_in_dim3A_408 = vector.broadcast %broadcast_in_dim3A_407 : f32 to vector<16xf32>
      %scan3A_409 = arith.constant 0 : i32
      %scan3A_410 = arith.constant 128 : i32
      %scan3A_411 = arith.addi %scan3A_409, %scan3A_410 : i32
      %scan3A_412 = arith.constant 1 : i32
      %scan3A_413:4 = scf.for %scan3A_471 = %scan3A_409 to %scan3A_411 step %scan3A_412 iter_args(%scan3A_472 = %broadcast_in_dim3A_408, %scan3A_473 = %broadcast_in_dim3A_408, %scan3A_474 = %broadcast_in_dim3A_408, %scan3A_475 = %broadcast_in_dim3A_408) -> (vector<16xf32>, vector<16xf32>, vector<16xf32>, vector<16xf32>)  : i32 {
        %add3A_476 = vector.broadcast %scan3A_471 : i32 to vector<16xi32>
        %add3A_477 = arith.addi %iota3A, %add3A_476 : vector<16xi32>
        %and3A = arith.constant 127 : i32
        %and3A_478 = vector.broadcast %and3A : i32 to vector<16xi32>
        %and3A_479 = arith.andi %add3A_477, %and3A_478 : vector<16xi32>
        %gather3A = tpu.vector_load_idx %arg12[%add3A_7, %and3A_479] : memref<64x128xf32, #tpu.memory_space<vmem>>[vector<16xi32>, vector<16xi32>], vector<16xf32>,
        %gather3A_480 = tpu.vector_load_idx %arg19[%add3A_7, %and3A_479] : memref<64x128xf32, #tpu.memory_space<vmem>>[vector<16xi32>, vector<16xi32>], vector<16xf32>,
        %mul3A_481 = arith.mulf %gather3A, %gather3A_480 : vector<16xf32>
        %add3A_482 = arith.addf %scan3A_472, %mul3A_481 : vector<16xf32>
        %gather3A_483 = tpu.vector_load_idx %arg12[%add3A_10, %and3A_479] : memref<64x128xf32, #tpu.memory_space<vmem>>[vector<16xi32>, vector<16xi32>], vector<16xf32>,
        %gather3A_484 = tpu.vector_load_idx %arg19[%add3A_10, %and3A_479] : memref<64x128xf32, #tpu.memory_space<vmem>>[vector<16xi32>, vector<16xi32>], vector<16xf32>,
        %mul3A_485 = arith.mulf %gather3A_483, %gather3A_484 : vector<16xf32>
        %add3A_486 = arith.addf %scan3A_473, %mul3A_485 : vector<16xf32>
        %gather3A_487 = tpu.vector_load_idx %arg12[%add3A_13, %and3A_479] : memref<64x128xf32, #tpu.memory_space<vmem>>[vector<16xi32>, vector<16xi32>], vector<16xf32>,
        %gather3A_488 = tpu.vector_load_idx %arg19[%add3A_13, %and3A_479] : memref<64x128xf32, #tpu.memory_space<vmem>>[vector<16xi32>, vector<16xi32>], vector<16xf32>,
        %mul3A_489 = arith.mulf %gather3A_487, %gather3A_488 : vector<16xf32>
        %add3A_490 = arith.addf %scan3A_474, %mul3A_489 : vector<16xf32>
        %gather3A_491 = tpu.vector_load_idx %arg12[%add3A_16, %and3A_479] : memref<64x128xf32, #tpu.memory_space<vmem>>[vector<16xi32>, vector<16xi32>], vector<16xf32>,
        %gather3A_492 = tpu.vector_load_idx %arg19[%add3A_16, %and3A_479] : memref<64x128xf32, #tpu.memory_space<vmem>>[vector<16xi32>, vector<16xi32>], vector<16xf32>,
        %mul3A_493 = arith.mulf %gather3A_491, %gather3A_492 : vector<16xf32>
        %add3A_494 = arith.addf %scan3A_475, %mul3A_493 : vector<16xf32>
        scf.yield %add3A_482, %add3A_486, %add3A_490, %add3A_494 : vector<16xf32>, vector<16xf32>, vector<16xf32>, vector<16xf32>
      }
      %scan3A_414 = arith.constant 128 : i32
      %swap3A_415 = arith.constant 0 : index
      %swap3A_416 = tpu.vector_load %arg40[%swap3A_415] {strides = array<i32>} : memref<64xf32, #tpu.memory_space<vmem>>, vector<16xf32>,
      tpu.vector_store %arg40[%swap3A_415], %scan3A_413#0 {strides = array<i32>} : memref<64xf32, #tpu.memory_space<vmem>>, vector<16xf32>,
      %swap3A_417 = arith.constant 16 : index
      %swap3A_418 = tpu.vector_load %arg40[%swap3A_417] {strides = array<i32>} : memref<64xf32, #tpu.memory_space<vmem>>, vector<16xf32>,
      tpu.vector_store %arg40[%swap3A_417], %scan3A_413#1 {strides = array<i32>} : memref<64xf32, #tpu.memory_space<vmem>>, vector<16xf32>,
      %swap3A_419 = arith.constant 32 : index
      %swap3A_420 = tpu.vector_load %arg40[%swap3A_419] {strides = array<i32>} : memref<64xf32, #tpu.memory_space<vmem>>, vector<16xf32>,
      tpu.vector_store %arg40[%swap3A_419], %scan3A_413#2 {strides = array<i32>} : memref<64xf32, #tpu.memory_space<vmem>>, vector<16xf32>,
      %swap3A_421 = arith.constant 48 : index
      %swap3A_422 = tpu.vector_load %arg40[%swap3A_421] {strides = array<i32>} : memref<64xf32, #tpu.memory_space<vmem>>, vector<16xf32>,
      tpu.vector_store %arg40[%swap3A_421], %scan3A_413#3 {strides = array<i32>} : memref<64xf32, #tpu.memory_space<vmem>>, vector<16xf32>,
      %mul3A_423 = arith.constant 64 : i32
      %mul3A_424 = arith.muli %add3A_384, %mul3A_423 : i32
      %add3A_425 = arith.addi %mul3A_4, %mul3A_424 : i32
      "tpu.region"() ({
        %run_scoped3A = tpu.sem_alloc : memref<!tpu.dma_semaphore, #tpu.memory_space<semaphore_mem>>
        %dma_start3A_471 = tpu.memref_slice %arg6[%add3A_425] : memref<501760xf32, #tpu.memory_space<hbm>> -> memref<64xf32, #tpu.memory_space<hbm>>
        %dma_start3A_472 = tpu.memref_slice %arg6[%add3A_425] : memref<501760xf32, #tpu.memory_space<hbm>> -> memref<64xf32, #tpu.memory_space<hbm>>
        tpu.enqueue_dma source(%arg40 : memref<64xf32, #tpu.memory_space<vmem>>) target(%dma_start3A_472 : memref<64xf32, #tpu.memory_space<hbm>>) target_semaphore(%run_scoped3A : memref<!tpu.dma_semaphore, #tpu.memory_space<semaphore_mem>>)
        %dma_wait3A_473 = tpu.memref_slice %arg6[%add3A_425] : memref<501760xf32, #tpu.memory_space<hbm>> -> memref<64xf32, #tpu.memory_space<hbm>>
        %dma_wait3A_474 = tpu.memref_slice %arg6[%add3A_425] : memref<501760xf32, #tpu.memory_space<hbm>> -> memref<64xf32, #tpu.memory_space<hbm>>
        tpu.wait_dma2 semaphore(%run_scoped3A : memref<!tpu.dma_semaphore, #tpu.memory_space<semaphore_mem>>) src(%arg40 : memref<64xf32, #tpu.memory_space<vmem>>) dst(%dma_wait3A_474 : memref<64xf32, #tpu.memory_space<hbm>>)
        tpu.yield
      }) : () -> ()
      %mul3A_426 = arith.constant 7 : i32
      %mul3A_427 = arith.muli %scan3A_160, %mul3A_426 : i32
      %add3A_428 = arith.constant 6 : i32
      %add3A_429 = arith.addi %mul3A_427, %add3A_428 : i32
      %add3A_430 = arith.constant 6 : i32
      %add3A_431 = arith.addi %add3A_429, %add3A_430 : i32
      %lt3A_432 = arith.constant 245 : i32
      %lt3A_433 = arith.cmpi slt, %add3A_431, %lt3A_432 : i32
      %convert_element_type3A_434 = arith.extui %lt3A_433 : i1 to i32
      %cond3A_435 = arith.constant 0 : i32
      %cond3A_436 = arith.cmpi ne, %convert_element_type3A_434, %cond3A_435 : i32
      scf.if %cond3A_436 {
        %add3A_471 = arith.constant 6 : i32
        %add3A_472 = arith.addi %add3A_429, %add3A_471 : i32
        %mul3A_473 = arith.constant 64 : i32
        %mul3A_474 = arith.muli %add3A_472, %mul3A_473 : i32
        %add3A_475 = arith.addi %mul3A_4, %mul3A_474 : i32
        %dma_wait3A_476 = tpu.memref_slice %arg4[%add3A_475] : memref<501760xi32, #tpu.memory_space<hbm>> -> memref<64xi32, #tpu.memory_space<hbm>>
        %dma_wait3A_477 = tpu.memref_slice %arg4[%add3A_475] : memref<501760xi32, #tpu.memory_space<hbm>> -> memref<64xi32, #tpu.memory_space<hbm>>
        tpu.wait_dma2 semaphore(%arg61 : memref<!tpu.dma_semaphore, #tpu.memory_space<semaphore_mem>>) src(%dma_wait3A_477 : memref<64xi32, #tpu.memory_space<hbm>>) dst(%arg26 : memref<64xi32, #tpu.memory_space<vmem>>)
        %mul3A_478 = arith.constant 64 : i32
        %mul3A_479 = arith.muli %add3A_472, %mul3A_478 : i32
        %add3A_480 = arith.addi %mul3A_4, %mul3A_479 : i32
        %dma_wait3A_481 = tpu.memref_slice %arg5[%add3A_480] : memref<501760xi32, #tpu.memory_space<hbm>> -> memref<64xi32, #tpu.memory_space<hbm>>
        %dma_wait3A_482 = tpu.memref_slice %arg5[%add3A_480] : memref<501760xi32, #tpu.memory_space<hbm>> -> memref<64xi32, #tpu.memory_space<hbm>>
        tpu.wait_dma2 semaphore(%arg68 : memref<!tpu.dma_semaphore, #tpu.memory_space<semaphore_mem>>) src(%dma_wait3A_482 : memref<64xi32, #tpu.memory_space<hbm>>) dst(%arg33 : memref<64xi32, #tpu.memory_space<vmem>>)
        %dma_start3A_483 = arith.constant 0 : i32
        %dma_start3A_484 = arith.constant 0 : i32
        %dma_start3A_485 = tpu.memref_slice %arg2[%dma_start3A_483, %dma_start3A_484] : memref<100000x128xf32, #tpu.memory_space<hbm>> -> memref<100000x128xf32, #tpu.memory_space<hbm>>
        tpu.enqueue_indirect_dma source(%dma_start3A_485 : memref<100000x128xf32, #tpu.memory_space<hbm>>) target(%arg12 : memref<64x128xf32, #tpu.memory_space<vmem>>) offsets(%arg26 : memref<64xi32, #tpu.memory_space<vmem>>) semaphore(%arg47 : memref<!tpu.dma_semaphore, #tpu.memory_space<semaphore_mem>>)
        %dma_start3A_486 = arith.constant 0 : i32
        %dma_start3A_487 = arith.constant 0 : i32
        %dma_start3A_488 = tpu.memref_slice %arg3[%dma_start3A_486, %dma_start3A_487] : memref<100000x128xf32, #tpu.memory_space<hbm>> -> memref<100000x128xf32, #tpu.memory_space<hbm>>
        tpu.enqueue_indirect_dma source(%dma_start3A_488 : memref<100000x128xf32, #tpu.memory_space<hbm>>) target(%arg19 : memref<64x128xf32, #tpu.memory_space<vmem>>) offsets(%arg33 : memref<64xi32, #tpu.memory_space<vmem>>) semaphore(%arg54 : memref<!tpu.dma_semaphore, #tpu.memory_space<semaphore_mem>>)
      } else {
      }
      %add3A_437 = arith.constant 6 : i32
      %add3A_438 = arith.addi %add3A_429, %add3A_437 : i32
      %add3A_439 = arith.constant 1 : i32
      %add3A_440 = arith.addi %add3A_438, %add3A_439 : i32
      %lt3A_441 = arith.constant 245 : i32
      %lt3A_442 = arith.cmpi slt, %add3A_440, %lt3A_441 : i32
      %convert_element_type3A_443 = arith.extui %lt3A_442 : i1 to i32
      %cond3A_444 = arith.constant 0 : i32
      %cond3A_445 = arith.cmpi ne, %convert_element_type3A_443, %cond3A_444 : i32
      scf.if %cond3A_445 {
        %add3A_471 = arith.constant 6 : i32
        %add3A_472 = arith.addi %add3A_429, %add3A_471 : i32
        %add3A_473 = arith.constant 1 : i32
        %add3A_474 = arith.addi %add3A_472, %add3A_473 : i32
        %mul3A_475 = arith.constant 64 : i32
        %mul3A_476 = arith.muli %add3A_474, %mul3A_475 : i32
        %add3A_477 = arith.addi %mul3A_4, %mul3A_476 : i32
        %dma_start3A_478 = tpu.memref_slice %arg4[%add3A_477] : memref<501760xi32, #tpu.memory_space<hbm>> -> memref<64xi32, #tpu.memory_space<hbm>>
        %dma_start3A_479 = tpu.memref_slice %arg4[%add3A_477] : memref<501760xi32, #tpu.memory_space<hbm>> -> memref<64xi32, #tpu.memory_space<hbm>>
        tpu.enqueue_dma source(%dma_start3A_479 : memref<64xi32, #tpu.memory_space<hbm>>) target(%arg27 : memref<64xi32, #tpu.memory_space<vmem>>) target_semaphore(%arg62 : memref<!tpu.dma_semaphore, #tpu.memory_space<semaphore_mem>>)
        %mul3A_480 = arith.constant 64 : i32
        %mul3A_481 = arith.muli %add3A_474, %mul3A_480 : i32
        %add3A_482 = arith.addi %mul3A_4, %mul3A_481 : i32
        %dma_start3A_483 = tpu.memref_slice %arg5[%add3A_482] : memref<501760xi32, #tpu.memory_space<hbm>> -> memref<64xi32, #tpu.memory_space<hbm>>
        %dma_start3A_484 = tpu.memref_slice %arg5[%add3A_482] : memref<501760xi32, #tpu.memory_space<hbm>> -> memref<64xi32, #tpu.memory_space<hbm>>
        tpu.enqueue_dma source(%dma_start3A_484 : memref<64xi32, #tpu.memory_space<hbm>>) target(%arg34 : memref<64xi32, #tpu.memory_space<vmem>>) target_semaphore(%arg69 : memref<!tpu.dma_semaphore, #tpu.memory_space<semaphore_mem>>)
      } else {
      }
      %dma_wait3A_446 = arith.constant 0 : i32
      %dma_wait3A_447 = arith.constant 0 : i32
      %dma_wait3A_448 = tpu.memref_slice %arg2[%dma_wait3A_446, %dma_wait3A_447] : memref<100000x128xf32, #tpu.memory_space<hbm>> -> memref<100000x128xf32, #tpu.memory_space<hbm>>
      tpu.wait_indirect_dma semaphore(%arg48 : memref<!tpu.dma_semaphore, #tpu.memory_space<semaphore_mem>>) src(%dma_wait3A_448 : memref<100000x128xf32, #tpu.memory_space<hbm>>) dst(%arg13 : memref<64x128xf32, #tpu.memory_space<vmem>>)
      %dma_wait3A_449 = arith.constant 0 : i32
      %dma_wait3A_450 = arith.constant 0 : i32
      %dma_wait3A_451 = tpu.memref_slice %arg3[%dma_wait3A_449, %dma_wait3A_450] : memref<100000x128xf32, #tpu.memory_space<hbm>> -> memref<100000x128xf32, #tpu.memory_space<hbm>>
      tpu.wait_indirect_dma semaphore(%arg55 : memref<!tpu.dma_semaphore, #tpu.memory_space<semaphore_mem>>) src(%dma_wait3A_451 : memref<100000x128xf32, #tpu.memory_space<hbm>>) dst(%arg20 : memref<64x128xf32, #tpu.memory_space<vmem>>)
      %broadcast_in_dim3A_452 = arith.constant 0.000000e+00 : f32
      %broadcast_in_dim3A_453 = vector.broadcast %broadcast_in_dim3A_452 : f32 to vector<16xf32>
      %scan3A_454 = arith.constant 0 : i32
      %scan3A_455 = arith.constant 128 : i32
      %scan3A_456 = arith.addi %scan3A_454, %scan3A_455 : i32
      %scan3A_457 = arith.constant 1 : i32
      %scan3A_458:4 = scf.for %scan3A_471 = %scan3A_454 to %scan3A_456 step %scan3A_457 iter_args(%scan3A_472 = %broadcast_in_dim3A_453, %scan3A_473 = %broadcast_in_dim3A_453, %scan3A_474 = %broadcast_in_dim3A_453, %scan3A_475 = %broadcast_in_dim3A_453) -> (vector<16xf32>, vector<16xf32>, vector<16xf32>, vector<16xf32>)  : i32 {
        %add3A_476 = vector.broadcast %scan3A_471 : i32 to vector<16xi32>
        %add3A_477 = arith.addi %iota3A, %add3A_476 : vector<16xi32>
        %and3A = arith.constant 127 : i32
        %and3A_478 = vector.broadcast %and3A : i32 to vector<16xi32>
        %and3A_479 = arith.andi %add3A_477, %and3A_478 : vector<16xi32>
        %gather3A = tpu.vector_load_idx %arg13[%add3A_7, %and3A_479] : memref<64x128xf32, #tpu.memory_space<vmem>>[vector<16xi32>, vector<16xi32>], vector<16xf32>,
        %gather3A_480 = tpu.vector_load_idx %arg20[%add3A_7, %and3A_479] : memref<64x128xf32, #tpu.memory_space<vmem>>[vector<16xi32>, vector<16xi32>], vector<16xf32>,
        %mul3A_481 = arith.mulf %gather3A, %gather3A_480 : vector<16xf32>
        %add3A_482 = arith.addf %scan3A_472, %mul3A_481 : vector<16xf32>
        %gather3A_483 = tpu.vector_load_idx %arg13[%add3A_10, %and3A_479] : memref<64x128xf32, #tpu.memory_space<vmem>>[vector<16xi32>, vector<16xi32>], vector<16xf32>,
        %gather3A_484 = tpu.vector_load_idx %arg20[%add3A_10, %and3A_479] : memref<64x128xf32, #tpu.memory_space<vmem>>[vector<16xi32>, vector<16xi32>], vector<16xf32>,
        %mul3A_485 = arith.mulf %gather3A_483, %gather3A_484 : vector<16xf32>
        %add3A_486 = arith.addf %scan3A_473, %mul3A_485 : vector<16xf32>
        %gather3A_487 = tpu.vector_load_idx %arg13[%add3A_13, %and3A_479] : memref<64x128xf32, #tpu.memory_space<vmem>>[vector<16xi32>, vector<16xi32>], vector<16xf32>,
        %gather3A_488 = tpu.vector_load_idx %arg20[%add3A_13, %and3A_479] : memref<64x128xf32, #tpu.memory_space<vmem>>[vector<16xi32>, vector<16xi32>], vector<16xf32>,
        %mul3A_489 = arith.mulf %gather3A_487, %gather3A_488 : vector<16xf32>
        %add3A_490 = arith.addf %scan3A_474, %mul3A_489 : vector<16xf32>
        %gather3A_491 = tpu.vector_load_idx %arg13[%add3A_16, %and3A_479] : memref<64x128xf32, #tpu.memory_space<vmem>>[vector<16xi32>, vector<16xi32>], vector<16xf32>,
        %gather3A_492 = tpu.vector_load_idx %arg20[%add3A_16, %and3A_479] : memref<64x128xf32, #tpu.memory_space<vmem>>[vector<16xi32>, vector<16xi32>], vector<16xf32>,
        %mul3A_493 = arith.mulf %gather3A_491, %gather3A_492 : vector<16xf32>
        %add3A_494 = arith.addf %scan3A_475, %mul3A_493 : vector<16xf32>
        scf.yield %add3A_482, %add3A_486, %add3A_490, %add3A_494 : vector<16xf32>, vector<16xf32>, vector<16xf32>, vector<16xf32>
      }
      %scan3A_459 = arith.constant 128 : i32
      %swap3A_460 = arith.constant 0 : index
      %swap3A_461 = tpu.vector_load %arg41[%swap3A_460] {strides = array<i32>} : memref<64xf32, #tpu.memory_space<vmem>>, vector<16xf32>,
      tpu.vector_store %arg41[%swap3A_460], %scan3A_458#0 {strides = array<i32>} : memref<64xf32, #tpu.memory_space<vmem>>, vector<16xf32>,
      %swap3A_462 = arith.constant 16 : index
      %swap3A_463 = tpu.vector_load %arg41[%swap3A_462] {strides = array<i32>} : memref<64xf32, #tpu.memory_space<vmem>>, vector<16xf32>,
      tpu.vector_store %arg41[%swap3A_462], %scan3A_458#1 {strides = array<i32>} : memref<64xf32, #tpu.memory_space<vmem>>, vector<16xf32>,
      %swap3A_464 = arith.constant 32 : index
      %swap3A_465 = tpu.vector_load %arg41[%swap3A_464] {strides = array<i32>} : memref<64xf32, #tpu.memory_space<vmem>>, vector<16xf32>,
      tpu.vector_store %arg41[%swap3A_464], %scan3A_458#2 {strides = array<i32>} : memref<64xf32, #tpu.memory_space<vmem>>, vector<16xf32>,
      %swap3A_466 = arith.constant 48 : index
      %swap3A_467 = tpu.vector_load %arg41[%swap3A_466] {strides = array<i32>} : memref<64xf32, #tpu.memory_space<vmem>>, vector<16xf32>,
      tpu.vector_store %arg41[%swap3A_466], %scan3A_458#3 {strides = array<i32>} : memref<64xf32, #tpu.memory_space<vmem>>, vector<16xf32>,
      %mul3A_468 = arith.constant 64 : i32
      %mul3A_469 = arith.muli %add3A_429, %mul3A_468 : i32
      %add3A_470 = arith.addi %mul3A_4, %mul3A_469 : i32
      "tpu.region"() ({
        %run_scoped3A = tpu.sem_alloc : memref<!tpu.dma_semaphore, #tpu.memory_space<semaphore_mem>>
        %dma_start3A_471 = tpu.memref_slice %arg6[%add3A_470] : memref<501760xf32, #tpu.memory_space<hbm>> -> memref<64xf32, #tpu.memory_space<hbm>>
        %dma_start3A_472 = tpu.memref_slice %arg6[%add3A_470] : memref<501760xf32, #tpu.memory_space<hbm>> -> memref<64xf32, #tpu.memory_space<hbm>>
        tpu.enqueue_dma source(%arg41 : memref<64xf32, #tpu.memory_space<vmem>>) target(%dma_start3A_472 : memref<64xf32, #tpu.memory_space<hbm>>) target_semaphore(%run_scoped3A : memref<!tpu.dma_semaphore, #tpu.memory_space<semaphore_mem>>)
        %dma_wait3A_473 = tpu.memref_slice %arg6[%add3A_470] : memref<501760xf32, #tpu.memory_space<hbm>> -> memref<64xf32, #tpu.memory_space<hbm>>
        %dma_wait3A_474 = tpu.memref_slice %arg6[%add3A_470] : memref<501760xf32, #tpu.memory_space<hbm>> -> memref<64xf32, #tpu.memory_space<hbm>>
        tpu.wait_dma2 semaphore(%run_scoped3A : memref<!tpu.dma_semaphore, #tpu.memory_space<semaphore_mem>>) src(%arg41 : memref<64xf32, #tpu.memory_space<vmem>>) dst(%dma_wait3A_474 : memref<64xf32, #tpu.memory_space<hbm>>)
        tpu.yield
      }) : () -> ()
    }
    %scan3A_159 = arith.constant 35 : i32
    return
  }
}

</mosaic_0001>

<sc_bundles>
// kernel: kernel.3.cloned.1.call-start
scs
__scs_entry_jumppad:
0x0: {  	(pc) =	sbr.rel $0x88, $3  }
0x1: {  	(tag) =	ssettag $0x0;
	lr =	simm.s32 $0x1  }
0x2: {  	[smem:$0x3F9E] =	sst lr;
	_ =	strace $0xD0000000  }
0x3: {  	_ = 	snop  }
0x4: {  	_ = 	snop  }
0x5: {  	_ = 	snop  }
0x6: {  	_ = 	snop  }
0x7: {  	_ = 	snop  }
__scs_overlays_trampoline_lowered:
0x8: {  	[smem:$0x3FAD] =	sst s0  }
0x9: {  	[smem:$0x3FAE] =	sst s1  }
0xa: {  	[smem:$0x3FAF] =	sst s2  }
0xb: {  	[smem:$0x3FB0] =	sst s3  }
0xc: {  	[smem:$0x3FB1] =	sst s4  }
0xd: {  	[smem:$0x3FB2] =	sst s5  }
0xe: {  	[smem:$0x3FB3] =	sst s6  }
0xf: {  	[smem:$0x3FB4] =	sst s7  }
0x10: {  	[smem:$0x3FB5] =	sst s8  }
0x11: {  	[smem:$0x3FB6] =	sst s9;
	s0 =	simm.s32 @!p0 $0x0  }
0x12: {  	s1 =	sld [smem:$0x3F9C];
	s0 =	simm.s32 @p0 $0x1  }
0x13: {  	[smem:$0x3FB7] =	sst s0;
	s0 =	simm.s32 @!p1 $0x0  }
0x14: {  	s2 =	sld [smem:$0x3F9B];
	s0 =	simm.s32 @p1 $0x1  }
0x15: {  	[smem:$0x3FB8] =	sst s0;
	s0 =	simm.s32 @!p2 $0x0  }
0x16: {  	s3 =	sld [smem:$0x3FDB];
	s0 =	simm.s32 @p2 $0x1  }
0x17: {  	s4 =	simm.s32 $0x1BF5;
	[smem:$0x3FBA] =	sst s0  }
0x18: {  	s0 =	sld [smem:$0x3F9D];
	_ =	swait.ge [sflag:s4], $0x0  }
0x19: {  	s7 =	sld [smem:$0x3F9E]  }
0x1a: {  	s8 =	sadd.s32 $0xFFFFE003, lr  }
0x1b: {  	s9 =	sadd.s32 $0xFFFFFEF7, lr;
	s5 =	simm.s32 $0xFFFFFFFF;
	p2 =	slt.u32 s8, $0xFFFFF086  }
0x1c: {  	p1 =	slt.u32 s9, $0xF7A;
	s5 =	simm.s32 @!p2 $0x0  }
0x1d: {  	s5 =	simm.s32 @p1 $0x1;
	p0 =	seq.s32 s7, s2  }
0x1e: {  	s7 =	smul.u32 @!p0 $0xF7A, s2;
	p2 =	seq.s32 @!p0 s5, $0x0  }
0x1f: {  	s9 =	smul.u32 $0xF7A, s1;
	s8 =	simm.s32 @!p0 $0x1BF5;
	p2 =	por !p2, p0  }
0x20: {  	[sflag:s8] =	ssyncset.s32 @!p0 $0xFFFFF086;
	s6 =	sadd.s32 @!p0 s3, s7;
	s7 =	simm.s32 @!p0 $0x108  }
0x21: {  	s3 =	sadd.s32 s3, s9;
	s6 =	sadd.s32 @!p0 $0x88, s6;
	s7 =	simm.s32 @p2 $0x1082  }
0x22: {  	[simem:s7], [sflag:s8] =	dma.local @!p0 [hbm:s6], $0xF7A  }
0x23: {  	s9 =	sor.u32 $0xD0000000, s2;
	s6 =	simm.s32 $0x108;
	_ =	swait.ge @!p0 [sflag:s8], $0x0  }
0x24: {  	s3 =	sadd.s32 $0x88, s3;
	s6 =	simm.s32 @!p1 $0x1082;
	[sflag:s4] =	ssyncset.s32 $0xFFFFF086  }
0x25: {  	[simem:s6], [sflag:s4] =	dma.local [hbm:s3], $0xF7A  }
0x26: {  	[smem:$0x3F9E] =	sst s1;
	(tag) =	ssettag s2;
	_ =	strace s9  }
0x27: {  	s1 =	sld [smem:$0x3FAE]  }
0x28: {  	s2 =	sld [smem:$0x3FAF]  }
0x29: {  	s4 =	sld [smem:$0x3FB1]  }
0x2a: {  	p0 =	seq.s32 s5, $0x0;
	s5 =	sld [smem:$0x3FB2]  }
0x2b: {  	s6 =	sld [smem:$0x3FB3]  }
0x2c: {  	s7 =	sld [smem:$0x3FB4]  }
0x2d: {  	s3 =	simm.s32 $0x108;
	s8 =	sld [smem:$0x3FB5]  }
0x2e: {  	s3 =	simm.s32 @!p0 $0x1082;
	s9 =	sld [smem:$0x3FB6]  }
0x2f: {  	lr =	sadd.s32 s0, s3;
	s0 =	sld [smem:$0x3FAD]  }
0x30: {  	s3 =	sld [smem:$0x3FB0]  }
0x31: {  	[smem:$0x3FB9] =	sst s10  }
0x32: {  	s10 =	sld [smem:$0x3FB7];
	_ =	sdelay $0x3  }
0x33: {  	p0 =	seq.s32 s10, $0x1;
	s10 =	sld [smem:$0x3FB9];
	_ =	sdelay $0x3  }
0x34: {  	[smem:$0x3FB9] =	sst s10  }
0x35: {  	s10 =	sld [smem:$0x3FB8];
	_ =	sdelay $0x3  }
0x36: {  	p1 =	seq.s32 s10, $0x1;
	s10 =	sld [smem:$0x3FB9];
	_ =	sdelay $0x3  }
0x37: {  	[smem:$0x3FB9] =	sst s10  }
0x38: {  	s10 =	sld [smem:$0x3FBA]  }
0x39: {  	_ = 	snop;
	(pc) =	sbr.ind lr, $3  }
0x3a: {  	_ = 	snop  }
0x3b: {  	_ = 	snop  }
0x3c: {  	p2 =	seq.s32 s10, $0x1;
	s10 =	sld [smem:$0x3FB9]  }
0x3d: {  	_ =	shalt  }
0x3e: {  	_ =	shalt  }
0x3f: {  	_ =	shalt  }
0x40: {  	_ =	shalt  }
0x41: {  	_ =	shalt  }
0x42: {  	_ =	shalt  }
0x43: {  	_ =	shalt  }
0x44: {  	_ =	shalt  }
0x45: {  	_ =	shalt  }
0x46: {  	_ =	shalt  }
0x47: {  	_ =	shalt  }
0x48: {  	_ =	shalt  }
0x49: {  	_ =	shalt  }
0x4a: {  	_ =	shalt  }
0x4b: {  	_ =	shalt  }
0x4c: {  	_ =	shalt  }
0x4d: {  	_ =	shalt  }
0x4e: {  	_ =	shalt  }
0x4f: {  	_ =	shalt  }
0x50: {  	_ =	shalt  }
0x51: {  	_ =	shalt  }
0x52: {  	_ =	shalt  }
0x53: {  	_ =	shalt  }
0x54: {  	_ =	shalt  }
0x55: {  	_ =	shalt  }
0x56: {  	_ =	shalt  }
0x57: {  	_ =	shalt  }
0x58: {  	_ =	shalt  }
0x59: {  	_ =	shalt  }
0x5a: {  	_ =	shalt  }
0x5b: {  	_ =	shalt  }
0x5c: {  	_ =	shalt  }
0x5d: {  	_ =	shalt  }
0x5e: {  	_ =	shalt  }
0x5f: {  	_ =	shalt  }
0x60: {  	_ =	shalt  }
0x61: {  	_ =	shalt  }
0x62: {  	_ =	shalt  }
0x63: {  	_ =	shalt  }
0x64: {  	_ =	shalt  }
0x65: {  	_ =	shalt  }
0x66: {  	_ =	shalt  }
0x67: {  	_ =	shalt  }
0x68: {  	_ =	shalt  }
0x69: {  	_ =	shalt  }
0x6a: {  	_ =	shalt  }
0x6b: {  	_ =	shalt  }
0x6c: {  	_ =	shalt  }
0x6d: {  	_ =	shalt  }
0x6e: {  	_ =	shalt  }
0x6f: {  	_ =	shalt  }
0x70: {  	_ =	shalt  }
0x71: {  	_ =	shalt  }
0x72: {  	_ =	shalt  }
0x73: {  	_ =	shalt  }
0x74: {  	_ =	shalt  }
0x75: {  	_ =	shalt  }
0x76: {  	_ =	shalt  }
0x77: {  	_ =	shalt  }
0x78: {  	_ =	shalt  }
0x79: {  	_ =	shalt  }
0x7a: {  	_ =	shalt  }
0x7b: {  	_ =	shalt  }
0x7c: {  	_ =	shalt  }
0x7d: {  	_ =	shalt  }
0x7e: {  	_ =	shalt  }
0x7f: {  	_ =	shalt  }
0x80: {  	_ =	shalt  }
0x81: {  	_ =	shalt  }
0x82: {  	_ =	shalt  }
0x83: {  	_ =	shalt  }
0x84: {  	_ =	shalt  }
0x85: {  	_ =	shalt  }
0x86: {  	_ =	shalt  }
0x87: {  	_ =	shalt  }
.Lfunc_end0:
.L_simem_size_0:
called_computation_lowered:
.L_overlay_start_0:
0x88: {  	s2 =	sld [smem:$0x3FD9]  }
0x89: {  	s3 =	sld [smem:$0x3FFE];
	_ =	sdelay $0x1  }
0x8a: {  	s1 =	srdreg.scid  }
0x8b: {  	s0 =	sand.u32 $0x1, s1  }
0x8c: {  	s17 =	sshll.u32 s0, $0xA;
	s2 =	sadd.s32 s3, s2  }
0x8d: {  	s2 =	sadd.s32 s2, s17  }
0x8e: {  	[smem:$0x3FC5] =	sst s2  }
0x8f: {  	_ = 	snop  }
0x90: {  	s2 =	sld [smem:$0x3FC9]  }
0x91: {  	s18 =	sld [smem:$0x3FC8];
	(tm) =	ssettm $0x1  }
0x92: {  	s4 =	sld [smem:$0x3FFB];
	_ =	sdelay $0x3  }
0x93: {  	_ =	strace s4  }
0x94: {  	s4 =	sld [smem:$0x3FFC];
	_ =	sdelay $0x3  }
0x95: {  	_ =	strace s4  }
0x96: {  	s4 =	sld [smem:$0x3FFD];
	_ =	sdelay $0x3  }
0x97: {  	_ =	strace s4  }
0x98: {  	_ =	strace $0x8FFFFFFF  }
0x99: {  	s19 =	sld [smem:$0x3FDB];
	_ =	sdelay $0x1  }
0x9a: {  	s5 =	simm.s32 $_scs_section_size  }
0x9b: {  	s6 =	simm.s32 $_size__tile_overlayer_lowered;
	s7 =	simm.s32 $_tile_overlayer_lowered  }
0x9c: {  	s22 =	simm.s32 $0x1BFF;
	s21 =	sshll.u32 s7, $0x1;
	s4 =	sadd.s32 s5, s19  }
0x9d: {  	s8 =	simm.s32 $0x0;
	s20 =	sshll.u32 s6, $0x1;
	s6 =	sadd.s32 s21, s4  }
0x9e: {  	[timem:s8], [sflag:s22] =	dma.local [hbm:s6], s20  }
0x9f: {  	_ =	swait.ge [sflag:s22], s20  }
0xa0: {  	s5 =	ssub.s32 $0x0, s20;
	[sflag:s22] =	ssyncset.done $0x0  }
0xa1: {  	[sflag:s22] =	ssyncadd.s32 s5;
	_ =	sdelay $0x1  }
0xa2: {  	s23 =	simm.s32 $0x1B8B  }
0xa3: {  	_ =	swait.ge [sflag:s23], $0x1  }
0xa4: {  	[sflag:s23] =	ssyncset.done $0x0  }
0xa5: {  	s25 =	simm.s32 $0x1B8E;
	s24 =	sld [smem:$0x3FFE];
	[sflag:s23] =	ssyncadd.s32 $0xFFFFFFFF  }
0xa6: {  	s26 =	simm.s32 $execute0_lowered;
	[smem:$0x3FD2] =	sst s25  }
0xa7: {  	s6 =	sshll.u32 s26, $0x1;
	_ =	strace $0x80000046;
	[dreg:$0x1] =	wrdreg $0xFFFFFFFF  }
0xa8: {  	s28 =	simm.s32 $_size_execute0_lowered;
	s4 =	sadd.s32 s4, s6;
	[dreg:$0x0] =	wrdreg $0x0  }
0xa9: {  	s6 =	sshll.u32 s28, $0x1;
	[dreg:$0x2] =	wrdreg s4  }
0xaa: {  	[dreg:$0x3] =	wrdreg s6  }
0xab: {  	[dreg:$0x4] =	wrdreg $0xC0  }
0xac: {  	_ =	task [dreg:s8], $0x5FFFF  }
0xad: {  	[dreg:$0x1] =	wrdreg $0xFFFFFFFF  }
0xae: {  	[dreg:$0x0] =	wrdreg $0x60  }
0xaf: {  	[dreg:$0x2] =	wrdreg s2  }
0xb0: {  	[dreg:$0x3] =	wrdreg s18  }
0xb1: {  	[dreg:$0x4] =	wrdreg s24  }
0xb2: {  	[dreg:$0x5] =	wrdreg $0x9  }
0xb3: {  	_ =	task.clear_ibuf [dreg:s8], $0x6FFFF;
	_ =	strace $0x90000046  }
0xb4: {  	s29 =	simm.s32 $0x9;
	_ =	strace $0x80000048  }
0xb5: {  	_ =	swait.ge [sflag:s29], $0x1  }
0xb6: {  	[sflag:s29] =	ssyncadd.s32 $0xFFFFFFFF  }
0xb7: {  	_ =	strace $0x90000048  }
0xb8: {  	_ =	sfence  }
0xb9: {  	s30 =	sld [smem:$0x0];
	_ =	sdelay $0x2  }
0xba: {  	s31 =	sshll.u32 s1, $0xD;
	s1 =	sshrl.u32 s1, $0x2  }
0xbb: {  	s3 =	sand.u32 $0x4000, s31;
	s1 =	sadd.s32 s1, s30  }
0xbc: {  	s0 =	sor.u32 s3, s0;
	s1 =	sshll.u32 s1, $0x11  }
0xbd: {  	s0 =	sor.u32 s1, s0  }
0xbe: {  	s0 =	sadd.s32 $0x8F2B, s0  }
0xbf: {  	[sflag:s0] =	ssyncadd.remote.s32 $0x1  }
0xc0: {  	_ =	sfence.sel $0xFFFF  }
0xc1: {  	[dreg:$0x0] =	wrdreg $0xFFFFFFFF;
	(pc) =	sbr.abs _section_cstart, $3  }
0xc2: {  	[dreg:$0x1] =	wrdreg $0xFFFFFFFF  }
0xc3: {  	_ =	task.clear_ibuf [dreg:s8], $0x2FFFF;
	_ =	strace $0x9FFFFFFF  }
0xc4: {  	(tm) =	ssettm $0x7FFFFFFF  }
0xc5: {  	_ =	shalt  }
tec
execute0_lowered:
.L_overlay_start_1:
0x0: {  	(tag) =	ssettag $0x1  }
0x1: {  	s1 =	rddreg [dreg:$0x0]  }
0x2: {  	s0 =	srdreg.scid;
	s2 =	stileid.u32  }
0x3: {  	s3 =	rddreg [dreg:$0x1];
	s0 =	sand.u32 $0x1, s0;
	s2 =	sshll.u32 s2, $0x1  }
0x4: {  	s4 =	rddreg [dreg:$0x2];
	s2 =	sor.u32 s0, s2  }
0x5: {  	s5 =	simm.s32 $0x0;
	s29 =	simm.s32 $0x2000;
	s8 =	smul.u32 $0x3D40, s2  }
0x6: {  	s28 =	simm.s32 $0x12000;
	s31 =	simm.s32 $0x1D;
	[smem:$0x7FF] =	sst s5  }
0x7: {  	_ =	strace $0x80000047;
	s6 =	sadd.s32 $0x40, s8;
	[dreg:$0x4] =	wrdreg s8  }
0x8: {  	s7 =	sadd.s32 $0xF600, s4;
	s22 =	sadd.s32 $0x80, s8;
	[dreg:$0x5] =	wrdreg s6  }
0x9: {  	s30 =	sadd.s32 $0x1EC00, s4;
	s26 =	sadd.s32 $0xC0, s8;
	[dreg:$0x7] =	wrdreg s22  }
0xa: {  	s0 =	ssub.s32 $0x2, s0;
	s10 =	sadd.s32 $0x100, s8;
	[dreg:$0xc] =	wrdreg s26  }
0xb: {  	s20 =	sshrl.u32 s0, $0x1;
	s13 =	sadd.s32 $0x140, s8;
	[dreg:$0xe] =	wrdreg s10  }
0xc: {  	s0 =	ssub.s32 s0, s20;
	s14 =	sadd.s32 $0x180, s8;
	[dreg:$0x12] =	wrdreg s13  }
0xd: {  	s21 =	sshrl.u32 s8, $0x3;
	s0 =	smax.u32 s0, $0x1;
	[dreg:$0x13] =	wrdreg s14  }
0xe: {  	s20 =	sadd.s32 $0x1C0, s8;
	s9 =	sadd.s32 s7, s21;
	[dreg:$0x19] =	wrdreg s0  }
0xf: {  	s6 =	sshrl.u32 s6, $0x3;
	s2 =	sadd.s32 s4, s21;
	[dreg:$0x1a] =	wrdreg s20  }
0x10: {  	s24 =	sshrl.u32 s22, $0x3;
	s12 =	sshrl.u32 s10, $0x3;
	[dreg:$0x6] =	wrdreg s9  }
0x11: {  	s15 =	sshrl.u32 s13, $0x3;
	s21 =	sadd.s32 $0x200, s8;
	[dreg:$0x8] =	wrdreg s2  }
0x12: {  	s16 =	sshrl.u32 s14, $0x3;
	s22 =	sadd.s32 $0x240, s8;
	[dreg:$0x1b] =	wrdreg s21  }
0x13: {  	s20 =	simm.s32 $0x10000;
	s23 =	sadd.s32 s7, s6;
	[dreg:$0x1c] =	wrdreg s22  }
0x14: {  	s14 =	simm.s32 $0x8000;
	s6 =	sadd.s32 s4, s6;
	[dreg:$0x9] =	wrdreg s23  }
0x15: {  	s10 =	simm.s32 $0xC;
	s25 =	sadd.s32 s7, s24;
	[dreg:$0xa] =	wrdreg s6  }
0x16: {  	s2 =	sadd.s32 s4, s24;
	s17 =	sadd.s32 s7, s15;
	[dreg:$0xb] =	wrdreg s25  }
0x17: {  	s18 =	sadd.s32 s7, s16;
	s19 =	sadd.s32 s4, s16;
	[dreg:$0xd] =	wrdreg s2  }
0x18: {  	s24 =	sadd.s32 $0x2C0, s8;
	s16 =	simm.s32 $0xA000;
	[dreg:$0x15] =	wrdreg s17  }
0x19: {  	s21 =	simm.s32 $0xD;
	s22 =	simm.s32 $0x7;
	[dreg:$0x17] =	wrdreg s18  }
0x1a: {  	s9 =	simm.s32 $0x0;
	s6 =	sshrl.u32 s26, $0x3;
	[dreg:$0x18] =	wrdreg s19  }
0x1b: {  	s23 =	sadd.s32 $0x280, s8;
	[dreg:$0x1e] =	wrdreg s24;
	s25 =	sadd.s32 $0x300, s8  }
0x1c: {  	s26 =	sadd.s32 $0x340, s8;
	s18 =	simm.s32 $0x4000;
	[dreg:$0x1d] =	wrdreg s23  }
0x1d: {  	s19 =	simm.s32 $0x14000;
	s24 =	simm.s32 $0x16000;
	[dreg:$0x1f] =	wrdreg s25  }
0x1e: {  	s8 =	simm.s32 $0x18000;
	s11 =	sadd.s32 s7, s6;
	[smem:$0x7FD] =	sst s26  }
0x1f: {  	s17 =	simm.s32 $0x1A000;
	s2 =	sadd.s32 s4, s6;
	[dreg:$0xf] =	wrdreg s11  }
0x20: {  	v0 =	vlaneseq.u32;
	s6 =	sadd.s32 s7, s12;
	s23 =	simm.s32 $0xE000;
	[dreg:$0x10] =	wrdreg s2  }
0x21: {  	v1 =	vmul.u32 $0x80, v0;
	s25 =	simm.s32 $0x6000;
	[dreg:$0x11] =	wrdreg s6;
	s2 =	sadd.s32 s4, s12  }
0x22: {  	s6 =	simm.s32 $0xC000;
	[dreg:$0x14] =	wrdreg s2;
	s2 =	sadd.s32 s4, s15  }
0x23: {  	v2 =	vor.u32 $0x800, v1;
	v3 =	vor.u32 $0x1000, v1;
	v4 =	vor.u32 $0x1800, v1;
	s15 =	simm.s32 $0x6;
	[dreg:$0x16] =	wrdreg s2;
	s2 =	simm.s32 $0xE  }
.LBB2_1:
0x24: {  	[smem:$0x7FC] =	sst s9  }
0x25: {  	s0 =	rddreg [dreg:$0x6];
	s9 =	simm.s32 $0x1C000  }
0x26: {  	[tilespmem:s9], [sflag:$0xF] =	stream.linear.gather [hbm4b:s0+s5], $0x40, $0x38;
	[tilespmem:$0x1CA80] =	vst v63  }
0x27: {  	s12 =	rddreg [dreg:$0x8];
	s11 =	simm.s32 $0x1C380  }
0x28: {  	[tilespmem:s11], [sflag:$0x16] =	stream.linear.gather [hbm4b:s12+s5], $0x40, $0x38;
	[tilespmem:$0x1CA80] =	vst v63  }
0x29: {  	s13 =	rddreg [dreg:$0x9];
	s12 =	simm.s32 $0x1C080  }
0x2a: {  	[tilespmem:s12], [sflag:$0x10] =	stream.linear.gather [hbm4b:s13+s5], $0x40, $0x38;
	[tilespmem:$0x1CA80] =	vst v63  }
0x2b: {  	s26 =	rddreg [dreg:$0xa];
	s13 =	simm.s32 $0x1C400  }
0x2c: {  	[tilespmem:s13], [sflag:$0x17] =	stream.linear.gather [hbm4b:s26+s5], $0x40, $0x38;
	[tilespmem:$0x1CA80] =	vst v63  }
0x2d: {  	s0 =	rddreg [dreg:$0xb];
	s26 =	simm.s32 $0x1C100  }
0x2e: {  	[tilespmem:s26], [sflag:$0x11] =	stream.linear.gather [hbm4b:s0+s5], $0x40, $0x38;
	[tilespmem:$0x1CA80] =	vst v63  }
0x2f: {  	s0 =	rddreg [dreg:$0xd];
	s26 =	simm.s32 $0x1C480  }
0x30: {  	[tilespmem:s26], [sflag:$0x18] =	stream.linear.gather [hbm4b:s0+s5], $0x40, $0x38;
	[tilespmem:$0x1CA80] =	vst v63  }
0x31: {  	s0 =	rddreg [dreg:$0xf];
	s26 =	simm.s32 $0x1C180  }
0x32: {  	[tilespmem:s26], [sflag:$0x12] =	stream.linear.gather [hbm4b:s0+s5], $0x40, $0x38;
	[tilespmem:$0x1CA80] =	vst v63  }
0x33: {  	s0 =	rddreg [dreg:$0x10];
	s26 =	simm.s32 $0x1C500  }
0x34: {  	[tilespmem:s26], [sflag:$0x19] =	stream.linear.gather [hbm4b:s0+s5], $0x40, $0x38;
	[tilespmem:$0x1CA80] =	vst v63  }
0x35: {  	s0 =	rddreg [dreg:$0x11];
	s26 =	simm.s32 $0x1C200  }
0x36: {  	[tilespmem:s26], [sflag:$0x13] =	stream.linear.gather [hbm4b:s0+s5], $0x40, $0x38;
	[tilespmem:$0x1CA80] =	vst v63  }
0x37: {  	s0 =	rddreg [dreg:$0x14];
	s26 =	simm.s32 $0x1C580  }
0x38: {  	[tilespmem:s26], [sflag:$0x1A] =	stream.linear.gather [hbm4b:s0+s5], $0x40, $0x38;
	[tilespmem:$0x1CA80] =	vst v63  }
0x39: {  	s0 =	rddreg [dreg:$0x15];
	s26 =	simm.s32 $0x1C280  }
0x3a: {  	[tilespmem:s26], [sflag:$0x14] =	stream.linear.gather [hbm4b:s0+s5], $0x40, $0x38;
	[tilespmem:$0x1CA80] =	vst v63  }
0x3b: {  	s0 =	rddreg [dreg:$0x16];
	s26 =	simm.s32 $0x1C600  }
0x3c: {  	[tilespmem:s26], [sflag:$0x1B] =	stream.linear.gather [hbm4b:s0+s5], $0x40, $0x38;
	[tilespmem:$0x1CA80] =	vst v63  }
0x3d: {  	s0 =	rddreg [dreg:$0x17];
	s26 =	simm.s32 $0x1C300  }
0x3e: {  	[tilespmem:s26], [sflag:$0x15] =	stream.linear.gather [hbm4b:s0+s5], $0x40, $0x38;
	[tilespmem:$0x1CA80] =	vst v63  }
0x3f: {  	s0 =	rddreg [dreg:$0x18];
	s26 =	simm.s32 $0x1C680  }
0x40: {  	[tilespmem:s26], [sflag:$0x1C] =	stream.linear.gather [hbm4b:s0+s5], $0x40, $0x38;
	[tilespmem:$0x1CA80] =	vst v63  }
0x41: {  	s26 =	simm.s32 $0xF  }
0x42: {  	_ =	swait.ge [sflag:s26], $0x40  }
0x43: {  	[sflag:s26] =	ssyncset.done $0x0  }
0x44: {  	[sflag:s26] =	ssyncadd.s32 $0xFFFFFFC0;
	s26 =	simm.s32 $0x16  }
0x45: {  	_ =	swait.ge [sflag:s26], $0x40  }
0x46: {  	[sflag:s26] =	ssyncset.done $0x0  }
0x47: {  	s0 =	simm.s32 $0x40;
	[sflag:s26] =	ssyncadd.s32 $0xFFFFFFC0  }
0x48: {  	[tilespmem:s5], [sflag:$0x1] =	stream.indirect.gather [hbm4b:s1+s0], $0x80, s9, s0, $0xb8;
	[tilespmem:$0x1CA80] =	vst v63  }
0x49: {  	_ = 	snop  }
0x4a: {  	[tilespmem:s23], [sflag:$0x8] =	stream.indirect.gather [hbm4b:s3+s0], $0x80, s11, s0, $0xb8;
	[tilespmem:$0x1CA80] =	vst v63  }
0x4b: {  	s11 =	simm.s32 $0x10  }
0x4c: {  	_ =	swait.ge [sflag:s11], $0x40  }
0x4d: {  	[sflag:s11] =	ssyncset.done $0x0  }
0x4e: {  	s26 =	simm.s32 $0x17;
	[sflag:s11] =	ssyncadd.s32 $0xFFFFFFC0  }
0x4f: {  	_ =	swait.ge [sflag:s26], $0x40  }
0x50: {  	[sflag:s26] =	ssyncset.done $0x0  }
0x51: {  	[sflag:s26] =	ssyncadd.s32 $0xFFFFFFC0  }
0x52: {  	[tilespmem:s29], [sflag:$0x2] =	stream.indirect.gather [hbm4b:s1+s0], $0x80, s12, s0, $0xb8;
	[tilespmem:$0x1CA80] =	vst v63  }
0x53: {  	s11 =	simm.s32 $0x11  }
0x54: {  	[tilespmem:s20], [sflag:$0x9] =	stream.indirect.gather [hbm4b:s3+s0], $0x80, s13, s0, $0xb8;
	[tilespmem:$0x1CA80] =	vst v63  }
0x55: {  	_ =	swait.ge [sflag:s11], $0x40  }
0x56: {  	[sflag:s11] =	ssyncset.done $0x0  }
0x57: {  	s12 =	simm.s32 $0x18;
	[sflag:s11] =	ssyncadd.s32 $0xFFFFFFC0  }
0x58: {  	_ =	swait.ge [sflag:s12], $0x40  }
0x59: {  	[sflag:s12] =	ssyncset.done $0x0  }
0x5a: {  	s13 =	simm.s32 $0x1C100;
	[sflag:s12] =	ssyncadd.s32 $0xFFFFFFC0  }
0x5b: {  	[tilespmem:s18], [sflag:$0x3] =	stream.indirect.gather [hbm4b:s1+s0], $0x80, s13, s0, $0xb8;
	[tilespmem:$0x1CA80] =	vst v63  }
0x5c: {  	s26 =	simm.s32 $0x1C480;
	s11 =	simm.s32 $0x12  }
0x5d: {  	[tilespmem:s28], [sflag:$0xA] =	stream.indirect.gather [hbm4b:s3+s0], $0x80, s26, s0, $0xb8;
	[tilespmem:$0x1CA80] =	vst v63  }
0x5e: {  	_ =	swait.ge [sflag:s11], $0x40  }
0x5f: {  	[sflag:s11] =	ssyncset.done $0x0  }
0x60: {  	s12 =	simm.s32 $0x19;
	[sflag:s11] =	ssyncadd.s32 $0xFFFFFFC0  }
0x61: {  	_ =	swait.ge [sflag:s12], $0x40  }
0x62: {  	[sflag:s12] =	ssyncset.done $0x0  }
0x63: {  	s13 =	simm.s32 $0x1C180;
	[sflag:s12] =	ssyncadd.s32 $0xFFFFFFC0  }
0x64: {  	[tilespmem:s25], [sflag:$0x4] =	stream.indirect.gather [hbm4b:s1+s0], $0x80, s13, s0, $0xb8;
	[tilespmem:$0x1CA80] =	vst v63  }
0x65: {  	s26 =	simm.s32 $0x1C500;
	s11 =	simm.s32 $0x13  }
0x66: {  	[tilespmem:s19], [sflag:$0xB] =	stream.indirect.gather [hbm4b:s3+s0], $0x80, s26, s0, $0xb8;
	[tilespmem:$0x1CA80] =	vst v63  }
0x67: {  	_ =	swait.ge [sflag:s11], $0x40  }
0x68: {  	[sflag:s11] =	ssyncset.done $0x0  }
0x69: {  	s12 =	simm.s32 $0x1A;
	[sflag:s11] =	ssyncadd.s32 $0xFFFFFFC0  }
0x6a: {  	_ =	swait.ge [sflag:s12], $0x40  }
0x6b: {  	[sflag:s12] =	ssyncset.done $0x0  }
0x6c: {  	s13 =	simm.s32 $0x1C200;
	[sflag:s12] =	ssyncadd.s32 $0xFFFFFFC0  }
0x6d: {  	[tilespmem:s14], [sflag:$0x5] =	stream.indirect.gather [hbm4b:s1+s0], $0x80, s13, s0, $0xb8;
	[tilespmem:$0x1CA80] =	vst v63  }
0x6e: {  	s26 =	simm.s32 $0x1C580;
	s11 =	simm.s32 $0x14  }
0x6f: {  	[tilespmem:s24], [sflag:$0xC] =	stream.indirect.gather [hbm4b:s3+s0], $0x80, s26, s0, $0xb8;
	[tilespmem:$0x1CA80] =	vst v63  }
0x70: {  	_ =	swait.ge [sflag:s11], $0x40  }
0x71: {  	[sflag:s11] =	ssyncset.done $0x0  }
0x72: {  	s12 =	simm.s32 $0x1B;
	[sflag:s11] =	ssyncadd.s32 $0xFFFFFFC0  }
0x73: {  	_ =	swait.ge [sflag:s12], $0x40  }
0x74: {  	[sflag:s12] =	ssyncset.done $0x0  }
0x75: {  	s13 =	simm.s32 $0x1C280;
	[sflag:s12] =	ssyncadd.s32 $0xFFFFFFC0  }
0x76: {  	[tilespmem:s16], [sflag:$0x6] =	stream.indirect.gather [hbm4b:s1+s0], $0x80, s13, s0, $0xb8;
	[tilespmem:$0x1CA80] =	vst v63  }
0x77: {  	s26 =	simm.s32 $0x1C600  }
0x78: {  	[tilespmem:s8], [sflag:$0xD] =	stream.indirect.gather [hbm4b:s3+s0], $0x80, s26, s0, $0xb8;
	[tilespmem:$0x1CA80] =	vst v63  }
0x79: {  	s0 =	simm.s32 $0x0  }
.LBB2_2:
0x7a: {  	s9 =	simm.s32 $0x15  }
0x7b: {  	_ =	swait.ge [sflag:s9], $0x40  }
0x7c: {  	[sflag:s9] =	ssyncset.done $0x0  }
0x7d: {  	s12 =	simm.s32 $0x1C;
	[sflag:s9] =	ssyncadd.s32 $0xFFFFFFC0  }
0x7e: {  	_ =	swait.ge [sflag:s12], $0x40  }
0x7f: {  	s13 =	simm.s32 $0x1C300;
	[sflag:s12] =	ssyncset.done $0x0  }
0x80: {  	p0 =	seq.s32 s0, $0x22;
	[sflag:s12] =	ssyncadd.s32 $0xFFFFFFC0;
	s12 =	simm.s32 $0x40  }
0x81: {  	[tilespmem:s6], [sflag:$0x7] =	stream.indirect.gather [hbm4b:s1+s12], $0x80, s13, s12, $0xb8;
	[tilespmem:$0x1CA80] =	vst v63  }
0x82: {  	s11 =	simm.s32 $0x1C680;
	s9 =	smul.u32 @!p0 $0x1C0, s0  }
0x83: {  	[tilespmem:s17], [sflag:$0xE] =	stream.indirect.gather [hbm4b:s3+s12], $0x80, s11, s12, $0xb8;
	[tilespmem:$0x1CA80] =	vst v63  }
0x84: {  	s11 =	rddreg [dreg:$0x1a]  }
0x85: {  	s9 =	sadd.s32 @!p0 s9, s11  }
0x86: {  	s9 =	sshrl.u32 @!p0 s9, $0x3  }
0x87: {  	s13 =	simm.s32 @!p0 $0x1C000;
	s12 =	simm.s32 @!p0 $0x0;
	s11 =	sadd.s32 @!p0 s7, s9  }
0x88: {  	[tilespmem:s13], [sflag:$0xF] =	stream.linear.gather @!p0 [hbm4b:s11+s12], $0x40, $0x38;
	[tilespmem:$0x1CA80] =	vst v63  }
0x89: {  	s26 =	simm.s32 $0x0;
	s9 =	sadd.s32 @!p0 s4, s9;
	s11 =	simm.s32 @!p0 $0x1C380  }
0x8a: {  	[tilespmem:s11], [sflag:$0x16] =	stream.linear.gather @!p0 [hbm4b:s9+s12], $0x40, $0x38;
	[tilespmem:$0x1CA80] =	vst v63  }
0x8b: {  	v5 =	vadd.s32 s26, v0;
	s11 =	simm.s32 $0x1  }
0x8c: {  	v5 =	vand.u32 $0x7F, v5;
	_ =	swait.ge [sflag:s11], $0x2000  }
0x8d: {  	v6 =	vor.u32 v4, v5;
	[sflag:s11] =	ssyncset.done $0x0  }
0x8e: {  	s12 =	simm.s32 $0x8;
	[sflag:s11] =	ssyncadd.s32 $0xFFFFE000  }
0x8f: {  	v7 =	vor.u32 v1, v5;
	_ =	swait.ge [sflag:s12], $0x2000  }
0x90: {  	[sflag:s12] =	ssyncset.done $0x0  }
0x91: {  	v8 =	vor.u32 v2, v5;
	[sflag:s12] =	ssyncadd.s32 $0xFFFFE000  }
0x92: {  	s13 =	simm.s32 $0x1;
	v11 =	vld.idx.msk [tilespmem:v6+s5+$0x0], $0xffff  }
0x93: {  	v5 =	vor.u32 v3, v5;
	v9 =	vadd.s32 s13, v0;
	v13 =	vld.idx.msk [tilespmem:v6+s23+$0x0], $0xffff  }
0x94: {  	v14 =	vand.u32 $0x7F, v9;
	v16 =	vld.idx.msk [tilespmem:v7+s5+$0x0], $0xffff  }
0x95: {  	v19 =	vor.u32 v4, v14;
	v20 =	vld.idx.msk [tilespmem:v7+s23+$0x0], $0xffff  }
0x96: {  	v6 =	vld.idx.msk [tilespmem:v8+s5+$0x0], $0xffff  }
0x97: {  	v15 =	vor.u32 v1, v14;
	v9 =	vld.idx.msk [tilespmem:v8+s23+$0x0], $0xffff  }
0x98: {  	v10 =	vld.idx.msk [tilespmem:v5+s5+$0x0], $0xffff  }
0x99: {  	v18 =	vor.u32 v2, v14;
	v12 =	vld.idx.msk [tilespmem:v5+s23+$0x0], $0xffff  }
0x9a: {  	s26 =	simm.s32 $0x2;
	v17 =	vor.u32 v3, v14;
	v14 =	vimm.f32 $0.0e+00;
	v7 =	vld.idx.msk [tilespmem:v19+s5+$0x0], $0xffff;
	v5 =	vmul.f32 v13, v11  }
0x9b: {  	v8 =	vimm.f32 $0.0e+00;
	v13 =	vadd.s32 s26, v0;
	v11 =	vld.idx.msk [tilespmem:v19+s23+$0x0], $0xffff;
	v19 =	vmul.f32 v20, v16  }
0x9c: {  	s9 =	simm.s32 $0x3;
	v16 =	vld.idx.msk [tilespmem:v15+s5+$0x0], $0xffff;
	v20 =	vand.u32 $0x7F, v13;
	v13 =	vimm.f32 $0.0e+00;
	v5 =	vadd.f32 v5, v8  }
.LBB2_3:
0x9d: {  	p1 =	sne.s32 s9, $0x7F;
	v21 =	vor.u32 v2, v20;
	v22 =	vor.u32 v4, v20;
	v23 =	vld.idx.msk [tilespmem:v15+s23+$0x0], $0xffff;
	v15 =	vor.u32 v1, v20  }
0x9e: {  	v20 =	vor.u32 v3, v20;
	v8 =	vadd.f32 v19, v8;
	v19 =	vmul.f32 v9, v6;
	v6 =	vld.idx.msk [tilespmem:v18+s5+$0x0], $0xffff  }
0x9f: {  	v24 =	vmul.f32 v12, v10;
	v9 =	vld.idx.msk [tilespmem:v18+s23+$0x0], $0xffff;
	v18 =	vmov v21  }
.Ltmp0:
0xa0: {  	v13 =	vadd.f32 v19, v13;
	v10 =	vld.idx.msk [tilespmem:v17+s5+$0x0], $0xffff;
	(pc) =	sbr.rel @p1 .LBB2_3-.Ltmp0, $4  }
0xa1: {  	v21 =	vmul.f32 v11, v7;
	v14 =	vadd.f32 v24, v14;
	v12 =	vld.idx.msk [tilespmem:v17+s23+$0x0], $0xffff;
	v17 =	vmov v20  }
0xa2: {  	v7 =	vld.idx.msk [tilespmem:v22+s5+$0x0], $0xffff  }
0xa3: {  	v20 =	vadd.s32 s9, v0;
	v19 =	vmul.f32 v23, v16;
	v5 =	vadd.f32 v21, v5;
	v11 =	vld.idx.msk [tilespmem:v22+s23+$0x0], $0xffff  }
0xa4: {  	s9 =	sadd.s32 $0x1, s9;
	v20 =	vand.u32 $0x7F, v20;
	v16 =	vld.idx.msk [tilespmem:v15+s5+$0x0], $0xffff  }
0xa5: {  	_ =	sdelay $0x3  }
0xa6: {  	v21 =	vor.u32 v4, v20;
	v15 =	vld.idx.msk [tilespmem:v15+s23+$0x0], $0xffff  }
0xa7: {  	v22 =	vor.u32 v1, v20;
	v23 =	vld.idx.msk [tilespmem:v18+s5+$0x0], $0xffff  }
0xa8: {  	v18 =	vld.idx.msk [tilespmem:v18+s23+$0x0], $0xffff  }
0xa9: {  	v24 =	vor.u32 v2, v20;
	v25 =	vld.idx.msk [tilespmem:v17+s5+$0x0], $0xffff  }
0xaa: {  	v17 =	vld.idx.msk [tilespmem:v17+s23+$0x0], $0xffff  }
0xab: {  	v20 =	vor.u32 v3, v20;
	v26 =	vld.idx.msk [tilespmem:v21+s5+$0x0], $0xffff  }
0xac: {  	v27 =	vld.idx.msk [tilespmem:v22+s5+$0x0], $0xffff  }
0xad: {  	v22 =	vld.idx.msk [tilespmem:v22+s23+$0x0], $0xffff  }
0xae: {  	v28 =	vld.idx.msk [tilespmem:v24+s5+$0x0], $0xffff  }
0xaf: {  	v24 =	vld.idx.msk [tilespmem:v24+s23+$0x0], $0xffff  }
0xb0: {  	v29 =	vld.idx.msk [tilespmem:v20+s5+$0x0], $0xffff  }
0xb1: {  	v6 =	vmul.f32 v9, v6;
	v9 =	vmul.f32 v12, v10;
	v10 =	vld.idx.msk [tilespmem:v20+s23+$0x0], $0xffff  }
0xb2: {  	v8 =	vadd.f32 v19, v8;
	v12 =	vmul.f32 v15, v16;
	v15 =	vld.idx.msk [tilespmem:v21+s23+$0x0], $0xffff  }
0xb3: {  	v6 =	vadd.f32 v6, v13;
	v9 =	vadd.f32 v9, v14;
	v13 =	vmul.f32 v18, v23  }
0xb4: {  	v8 =	vadd.f32 v12, v8;
	v12 =	vmul.f32 v17, v25;
	v14 =	vmul.f32 v22, v27  }
0xb5: {  	v7 =	vmul.f32 v11, v7;
	v6 =	vadd.f32 v13, v6;
	v11 =	vmul.f32 v24, v28  }
0xb6: {  	v9 =	vadd.f32 v12, v9;
	v10 =	vmul.f32 v10, v29;
	v8 =	vadd.f32 v14, v8  }
0xb7: {  	s9 =	smul.u32 $0x1C0, s0;
	v5 =	vadd.f32 v7, v5;
	v7 =	vmul.f32 v15, v26;
	v6 =	vadd.f32 v11, v6  }
0xb8: {  	s11 =	rddreg [dreg:$0x4];
	v9 =	vadd.f32 v10, v9;
	[tilespmem:$0x1C700] =	vst v8  }
0xb9: {  	s11 =	sadd.s32 s11, s9;
	v5 =	vadd.f32 v7, v5;
	[tilespmem:$0x1C710] =	vst v6  }
0xba: {  	s11 =	sshrl.u32 s11, $0x3;
	[tilespmem:$0x1C720] =	vst v9  }
0xbb: {  	s12 =	simm.s32 $0x1C700;
	s11 =	sadd.s32 s30, s11;
	[tilespmem:$0x1C730] =	vst v5  }
0xbc: {  	[hbm4b:s11+s5] =	stream.linear.scatter [tilespmem:s12], [sflag:$0x1D], $0x40, $0x38;
	[tilespmem:$0x1CA80] =	vst v63  }
0xbd: {  	_ =	swait.ge [sflag:s31], $0x40  }
0xbe: {  	[sflag:s31] =	ssyncset.done $0x0  }
0xbf: {  	s11 =	simm.s32 @!p0 $0xF;
	[sflag:s31] =	ssyncadd.s32 $0xFFFFFFC0  }
0xc0: {  	_ =	swait.ge @!p0 [sflag:s11], $0x40  }
0xc1: {  	[sflag:s11] =	ssyncset.done @!p0 $0x0  }
0xc2: {  	[sflag:s11] =	ssyncadd.s32 @!p0 $0xFFFFFFC0;
	s11 =	simm.s32 @!p0 $0x16  }
0xc3: {  	_ =	swait.ge @!p0 [sflag:s11], $0x40  }
0xc4: {  	s13 =	simm.s32 @!p0 $0x0;
	[sflag:s11] =	ssyncset.done @!p0 $0x0  }
0xc5: {  	s12 =	simm.s32 @!p0 $0x1C000;
	[sflag:s11] =	ssyncadd.s32 @!p0 $0xFFFFFFC0;
	s11 =	simm.s32 @!p0 $0x40  }
0xc6: {  	[tilespmem:s13], [sflag:$0x1] =	stream.indirect.gather @!p0 [hbm4b:s1+s11], $0x80, s12, s11, $0xb8;
	[tilespmem:$0x1CA80] =	vst v63  }
0xc7: {  	s26 =	simm.s32 @!p0 $0xE000;
	s12 =	simm.s32 @!p0 $0x1C380  }
0xc8: {  	[tilespmem:s26], [sflag:$0x8] =	stream.indirect.gather @!p0 [hbm4b:s3+s11], $0x80, s12, s11, $0xb8;
	[tilespmem:$0x1CA80] =	vst v63  }
0xc9: {  	s11 =	rddreg [dreg:$0x1b]  }
0xca: {  	s11 =	sadd.s32 @!p0 s9, s11  }
0xcb: {  	s11 =	sshrl.u32 @!p0 s11, $0x3  }
0xcc: {  	s26 =	simm.s32 @!p0 $0x1C080;
	s12 =	sadd.s32 @!p0 s7, s11  }
0xcd: {  	[tilespmem:s26], [sflag:$0x10] =	stream.linear.gather @!p0 [hbm4b:s12+s13], $0x40, $0x38;
	[tilespmem:$0x1CA80] =	vst v63  }
0xce: {  	s26 =	simm.s32 $0x0  }
0xcf: {  	s11 =	sadd.s32 @!p0 s4, s11;
	s12 =	simm.s32 @!p0 $0x1C400;
	v5 =	vadd.s32 s26, v0;
	s26 =	simm.s32 $0x2  }
0xd0: {  	[tilespmem:s12], [sflag:$0x17] =	stream.linear.gather @!p0 [hbm4b:s11+s13], $0x40, $0x38;
	[tilespmem:$0x1CA80] =	vst v63  }
0xd1: {  	v5 =	vand.u32 $0x7F, v5;
	_ =	swait.ge [sflag:s26], $0x2000  }
0xd2: {  	v6 =	vor.u32 v4, v5;
	[sflag:s26] =	ssyncset.done $0x0  }
0xd3: {  	s12 =	simm.s32 $0x9;
	[sflag:s26] =	ssyncadd.s32 $0xFFFFE000  }
0xd4: {  	v7 =	vor.u32 v1, v5;
	_ =	swait.ge [sflag:s12], $0x2000  }
0xd5: {  	[sflag:s12] =	ssyncset.done $0x0  }
0xd6: {  	v8 =	vor.u32 v2, v5;
	[sflag:s12] =	ssyncadd.s32 $0xFFFFE000  }
0xd7: {  	s13 =	simm.s32 $0x1;
	v11 =	vld.idx.msk [tilespmem:v6+s29+$0x0], $0xffff  }
0xd8: {  	v5 =	vor.u32 v3, v5;
	v9 =	vadd.s32 s13, v0;
	v13 =	vld.idx.msk [tilespmem:v6+s20+$0x0], $0xffff  }
0xd9: {  	v14 =	vand.u32 $0x7F, v9;
	v16 =	vld.idx.msk [tilespmem:v7+s29+$0x0], $0xffff  }
0xda: {  	v19 =	vor.u32 v4, v14;
	v20 =	vld.idx.msk [tilespmem:v7+s20+$0x0], $0xffff  }
0xdb: {  	v6 =	vld.idx.msk [tilespmem:v8+s29+$0x0], $0xffff  }
0xdc: {  	v15 =	vor.u32 v1, v14;
	v9 =	vld.idx.msk [tilespmem:v8+s20+$0x0], $0xffff  }
0xdd: {  	v10 =	vld.idx.msk [tilespmem:v5+s29+$0x0], $0xffff  }
0xde: {  	v18 =	vor.u32 v2, v14;
	v12 =	vld.idx.msk [tilespmem:v5+s20+$0x0], $0xffff  }
0xdf: {  	s26 =	simm.s32 $0x2;
	v17 =	vor.u32 v3, v14;
	v14 =	vimm.f32 $0.0e+00;
	v7 =	vld.idx.msk [tilespmem:v19+s29+$0x0], $0xffff;
	v5 =	vmul.f32 v13, v11  }
0xe0: {  	v8 =	vimm.f32 $0.0e+00;
	v13 =	vadd.s32 s26, v0;
	v11 =	vld.idx.msk [tilespmem:v19+s20+$0x0], $0xffff;
	v19 =	vmul.f32 v20, v16  }
0xe1: {  	s11 =	simm.s32 $0x3;
	v16 =	vld.idx.msk [tilespmem:v15+s29+$0x0], $0xffff;
	v20 =	vand.u32 $0x7F, v13;
	v13 =	vimm.f32 $0.0e+00;
	v5 =	vadd.f32 v5, v8  }
.LBB2_5:
0xe2: {  	p1 =	sne.s32 s11, $0x7F;
	v21 =	vor.u32 v2, v20;
	v22 =	vor.u32 v4, v20;
	v23 =	vld.idx.msk [tilespmem:v15+s20+$0x0], $0xffff;
	v15 =	vor.u32 v1, v20  }
0xe3: {  	v20 =	vor.u32 v3, v20;
	v8 =	vadd.f32 v19, v8;
	v19 =	vmul.f32 v9, v6;
	v6 =	vld.idx.msk [tilespmem:v18+s29+$0x0], $0xffff  }
0xe4: {  	v24 =	vmul.f32 v12, v10;
	v9 =	vld.idx.msk [tilespmem:v18+s20+$0x0], $0xffff;
	v18 =	vmov v21  }
.Ltmp1:
0xe5: {  	v13 =	vadd.f32 v19, v13;
	v10 =	vld.idx.msk [tilespmem:v17+s29+$0x0], $0xffff;
	(pc) =	sbr.rel @p1 .LBB2_5-.Ltmp1, $4  }
0xe6: {  	v21 =	vmul.f32 v11, v7;
	v14 =	vadd.f32 v24, v14;
	v12 =	vld.idx.msk [tilespmem:v17+s20+$0x0], $0xffff;
	v17 =	vmov v20  }
0xe7: {  	v7 =	vld.idx.msk [tilespmem:v22+s29+$0x0], $0xffff  }
0xe8: {  	v20 =	vadd.s32 s11, v0;
	v19 =	vmul.f32 v23, v16;
	v5 =	vadd.f32 v21, v5;
	v11 =	vld.idx.msk [tilespmem:v22+s20+$0x0], $0xffff  }
0xe9: {  	s11 =	sadd.s32 $0x1, s11;
	v20 =	vand.u32 $0x7F, v20;
	v16 =	vld.idx.msk [tilespmem:v15+s29+$0x0], $0xffff  }
0xea: {  	_ =	sdelay $0x3  }
0xeb: {  	v21 =	vor.u32 v4, v20;
	v15 =	vld.idx.msk [tilespmem:v15+s20+$0x0], $0xffff  }
0xec: {  	v22 =	vor.u32 v1, v20;
	v23 =	vld.idx.msk [tilespmem:v18+s29+$0x0], $0xffff  }
0xed: {  	v18 =	vld.idx.msk [tilespmem:v18+s20+$0x0], $0xffff  }
0xee: {  	v24 =	vor.u32 v2, v20;
	v25 =	vld.idx.msk [tilespmem:v17+s29+$0x0], $0xffff  }
0xef: {  	v17 =	vld.idx.msk [tilespmem:v17+s20+$0x0], $0xffff  }
0xf0: {  	v20 =	vor.u32 v3, v20;
	v26 =	vld.idx.msk [tilespmem:v21+s29+$0x0], $0xffff  }
0xf1: {  	v27 =	vld.idx.msk [tilespmem:v22+s29+$0x0], $0xffff  }
0xf2: {  	v22 =	vld.idx.msk [tilespmem:v22+s20+$0x0], $0xffff  }
0xf3: {  	v28 =	vld.idx.msk [tilespmem:v24+s29+$0x0], $0xffff  }
0xf4: {  	v24 =	vld.idx.msk [tilespmem:v24+s20+$0x0], $0xffff  }
0xf5: {  	v29 =	vld.idx.msk [tilespmem:v20+s29+$0x0], $0xffff  }
0xf6: {  	v6 =	vmul.f32 v9, v6;
	v9 =	vmul.f32 v12, v10;
	v10 =	vld.idx.msk [tilespmem:v20+s20+$0x0], $0xffff  }
0xf7: {  	v8 =	vadd.f32 v19, v8;
	v12 =	vmul.f32 v15, v16;
	v15 =	vld.idx.msk [tilespmem:v21+s20+$0x0], $0xffff  }
0xf8: {  	v6 =	vadd.f32 v6, v13;
	v9 =	vadd.f32 v9, v14;
	v13 =	vmul.f32 v18, v23  }
0xf9: {  	v8 =	vadd.f32 v12, v8;
	v12 =	vmul.f32 v17, v25;
	v14 =	vmul.f32 v22, v27  }
0xfa: {  	v7 =	vmul.f32 v11, v7;
	v6 =	vadd.f32 v13, v6;
	v11 =	vmul.f32 v24, v28  }
0xfb: {  	v9 =	vadd.f32 v12, v9;
	v10 =	vmul.f32 v10, v29;
	v8 =	vadd.f32 v14, v8  }
0xfc: {  	v5 =	vadd.f32 v7, v5;
	v7 =	vmul.f32 v15, v26;
	v6 =	vadd.f32 v11, v6  }
0xfd: {  	s11 =	rddreg [dreg:$0x5];
	v9 =	vadd.f32 v10, v9;
	[tilespmem:$0x1C780] =	vst v8  }
0xfe: {  	s11 =	sadd.s32 s9, s11;
	v5 =	vadd.f32 v7, v5;
	[tilespmem:$0x1C790] =	vst v6  }
0xff: {  	s11 =	sshrl.u32 s11, $0x3;
	[tilespmem:$0x1C7A0] =	vst v9  }
0x100: {  	s12 =	simm.s32 $0x1C780;
	s11 =	sadd.s32 s30, s11;
	[tilespmem:$0x1C7B0] =	vst v5  }
0x101: {  	[hbm4b:s11+s5] =	stream.linear.scatter [tilespmem:s12], [sflag:$0x1D], $0x40, $0x38;
	[tilespmem:$0x1CA80] =	vst v63  }
0x102: {  	_ =	swait.ge [sflag:s31], $0x40  }
0x103: {  	[sflag:s31] =	ssyncset.done $0x0  }
0x104: {  	s11 =	simm.s32 @!p0 $0x10;
	[sflag:s31] =	ssyncadd.s32 $0xFFFFFFC0  }
0x105: {  	_ =	swait.ge @!p0 [sflag:s11], $0x40  }
0x106: {  	[sflag:s11] =	ssyncset.done @!p0 $0x0  }
0x107: {  	[sflag:s11] =	ssyncadd.s32 @!p0 $0xFFFFFFC0;
	s11 =	simm.s32 @!p0 $0x17  }
0x108: {  	_ =	swait.ge @!p0 [sflag:s11], $0x40  }
0x109: {  	s13 =	simm.s32 @!p0 $0x2000;
	[sflag:s11] =	ssyncset.done @!p0 $0x0  }
0x10a: {  	s12 =	simm.s32 @!p0 $0x1C080;
	[sflag:s11] =	ssyncadd.s32 @!p0 $0xFFFFFFC0;
	s11 =	simm.s32 @!p0 $0x40  }
0x10b: {  	[tilespmem:s13], [sflag:$0x2] =	stream.indirect.gather @!p0 [hbm4b:s1+s11], $0x80, s12, s11, $0xb8;
	[tilespmem:$0x1CA80] =	vst v63  }
0x10c: {  	s12 =	simm.s32 @!p0 $0x1C400;
	s13 =	simm.s32 @!p0 $0x10000  }
0x10d: {  	[tilespmem:s13], [sflag:$0x9] =	stream.indirect.gather @!p0 [hbm4b:s3+s11], $0x80, s12, s11, $0xb8;
	[tilespmem:$0x1CA80] =	vst v63  }
0x10e: {  	s11 =	rddreg [dreg:$0x1c]  }
0x10f: {  	s11 =	sadd.s32 @!p0 s9, s11  }
0x110: {  	s11 =	sshrl.u32 @!p0 s11, $0x3  }
0x111: {  	s26 =	simm.s32 @!p0 $0x1C100;
	s13 =	simm.s32 @!p0 $0x0;
	s12 =	sadd.s32 @!p0 s7, s11  }
0x112: {  	[tilespmem:s26], [sflag:$0x11] =	stream.linear.gather @!p0 [hbm4b:s12+s13], $0x40, $0x38;
	[tilespmem:$0x1CA80] =	vst v63  }
0x113: {  	s26 =	simm.s32 $0x0  }
0x114: {  	s11 =	sadd.s32 @!p0 s4, s11;
	s12 =	simm.s32 @!p0 $0x1C480;
	v5 =	vadd.s32 s26, v0;
	s26 =	simm.s32 $0x3  }
0x115: {  	[tilespmem:s12], [sflag:$0x18] =	stream.linear.gather @!p0 [hbm4b:s11+s13], $0x40, $0x38;
	[tilespmem:$0x1CA80] =	vst v63  }
0x116: {  	v5 =	vand.u32 $0x7F, v5;
	_ =	swait.ge [sflag:s26], $0x2000  }
0x117: {  	v6 =	vor.u32 v4, v5;
	[sflag:s26] =	ssyncset.done $0x0  }
0x118: {  	s12 =	simm.s32 $0xA;
	[sflag:s26] =	ssyncadd.s32 $0xFFFFE000  }
0x119: {  	v7 =	vor.u32 v1, v5;
	_ =	swait.ge [sflag:s12], $0x2000  }
0x11a: {  	[sflag:s12] =	ssyncset.done $0x0  }
0x11b: {  	v8 =	vor.u32 v2, v5;
	[sflag:s12] =	ssyncadd.s32 $0xFFFFE000  }
0x11c: {  	s13 =	simm.s32 $0x1;
	v11 =	vld.idx.msk [tilespmem:v6+s18+$0x0], $0xffff  }
0x11d: {  	v5 =	vor.u32 v3, v5;
	v9 =	vadd.s32 s13, v0;
	v13 =	vld.idx.msk [tilespmem:v6+s28+$0x0], $0xffff  }
0x11e: {  	v14 =	vand.u32 $0x7F, v9;
	v16 =	vld.idx.msk [tilespmem:v7+s18+$0x0], $0xffff  }
0x11f: {  	v19 =	vor.u32 v4, v14;
	v20 =	vld.idx.msk [tilespmem:v7+s28+$0x0], $0xffff  }
0x120: {  	v6 =	vld.idx.msk [tilespmem:v8+s18+$0x0], $0xffff  }
0x121: {  	v15 =	vor.u32 v1, v14;
	v9 =	vld.idx.msk [tilespmem:v8+s28+$0x0], $0xffff  }
0x122: {  	v10 =	vld.idx.msk [tilespmem:v5+s18+$0x0], $0xffff  }
0x123: {  	v18 =	vor.u32 v2, v14;
	v12 =	vld.idx.msk [tilespmem:v5+s28+$0x0], $0xffff  }
0x124: {  	s26 =	simm.s32 $0x2;
	v17 =	vor.u32 v3, v14;
	v14 =	vimm.f32 $0.0e+00;
	v7 =	vld.idx.msk [tilespmem:v19+s18+$0x0], $0xffff;
	v5 =	vmul.f32 v13, v11  }
0x125: {  	v8 =	vimm.f32 $0.0e+00;
	v13 =	vadd.s32 s26, v0;
	v11 =	vld.idx.msk [tilespmem:v19+s28+$0x0], $0xffff;
	v19 =	vmul.f32 v20, v16  }
0x126: {  	s11 =	simm.s32 $0x3;
	v16 =	vld.idx.msk [tilespmem:v15+s18+$0x0], $0xffff;
	v20 =	vand.u32 $0x7F, v13;
	v13 =	vimm.f32 $0.0e+00;
	v5 =	vadd.f32 v5, v8  }
.LBB2_7:
0x127: {  	p1 =	sne.s32 s11, $0x7F;
	v21 =	vor.u32 v2, v20;
	v22 =	vor.u32 v4, v20;
	v23 =	vld.idx.msk [tilespmem:v15+s28+$0x0], $0xffff;
	v15 =	vor.u32 v1, v20  }
0x128: {  	v20 =	vor.u32 v3, v20;
	v8 =	vadd.f32 v19, v8;
	v19 =	vmul.f32 v9, v6;
	v6 =	vld.idx.msk [tilespmem:v18+s18+$0x0], $0xffff  }
0x129: {  	v24 =	vmul.f32 v12, v10;
	v9 =	vld.idx.msk [tilespmem:v18+s28+$0x0], $0xffff;
	v18 =	vmov v21  }
.Ltmp2:
0x12a: {  	v13 =	vadd.f32 v19, v13;
	v10 =	vld.idx.msk [tilespmem:v17+s18+$0x0], $0xffff;
	(pc) =	sbr.rel @p1 .LBB2_7-.Ltmp2, $4  }
0x12b: {  	v21 =	vmul.f32 v11, v7;
	v14 =	vadd.f32 v24, v14;
	v12 =	vld.idx.msk [tilespmem:v17+s28+$0x0], $0xffff;
	v17 =	vmov v20  }
0x12c: {  	v7 =	vld.idx.msk [tilespmem:v22+s18+$0x0], $0xffff  }
0x12d: {  	v20 =	vadd.s32 s11, v0;
	v19 =	vmul.f32 v23, v16;
	v5 =	vadd.f32 v21, v5;
	v11 =	vld.idx.msk [tilespmem:v22+s28+$0x0], $0xffff  }
0x12e: {  	s11 =	sadd.s32 $0x1, s11;
	v20 =	vand.u32 $0x7F, v20;
	v16 =	vld.idx.msk [tilespmem:v15+s18+$0x0], $0xffff  }
0x12f: {  	_ =	sdelay $0x3  }
0x130: {  	v21 =	vor.u32 v4, v20;
	v15 =	vld.idx.msk [tilespmem:v15+s28+$0x0], $0xffff  }
0x131: {  	v22 =	vor.u32 v1, v20;
	v23 =	vld.idx.msk [tilespmem:v18+s18+$0x0], $0xffff  }
0x132: {  	v18 =	vld.idx.msk [tilespmem:v18+s28+$0x0], $0xffff  }
0x133: {  	v24 =	vor.u32 v2, v20;
	v25 =	vld.idx.msk [tilespmem:v17+s18+$0x0], $0xffff  }
0x134: {  	v17 =	vld.idx.msk [tilespmem:v17+s28+$0x0], $0xffff  }
0x135: {  	v20 =	vor.u32 v3, v20;
	v26 =	vld.idx.msk [tilespmem:v21+s18+$0x0], $0xffff  }
0x136: {  	v27 =	vld.idx.msk [tilespmem:v22+s18+$0x0], $0xffff  }
0x137: {  	v22 =	vld.idx.msk [tilespmem:v22+s28+$0x0], $0xffff  }
0x138: {  	v28 =	vld.idx.msk [tilespmem:v24+s18+$0x0], $0xffff  }
0x139: {  	v24 =	vld.idx.msk [tilespmem:v24+s28+$0x0], $0xffff  }
0x13a: {  	v29 =	vld.idx.msk [tilespmem:v20+s18+$0x0], $0xffff  }
0x13b: {  	v6 =	vmul.f32 v9, v6;
	v9 =	vmul.f32 v12, v10;
	v10 =	vld.idx.msk [tilespmem:v20+s28+$0x0], $0xffff  }
0x13c: {  	v8 =	vadd.f32 v19, v8;
	v12 =	vmul.f32 v15, v16;
	v15 =	vld.idx.msk [tilespmem:v21+s28+$0x0], $0xffff  }
0x13d: {  	v6 =	vadd.f32 v6, v13;
	v9 =	vadd.f32 v9, v14;
	v13 =	vmul.f32 v18, v23  }
0x13e: {  	v8 =	vadd.f32 v12, v8;
	v12 =	vmul.f32 v17, v25;
	v14 =	vmul.f32 v22, v27  }
0x13f: {  	v7 =	vmul.f32 v11, v7;
	v6 =	vadd.f32 v13, v6;
	v11 =	vmul.f32 v24, v28  }
0x140: {  	v9 =	vadd.f32 v12, v9;
	v10 =	vmul.f32 v10, v29;
	v8 =	vadd.f32 v14, v8  }
0x141: {  	v5 =	vadd.f32 v7, v5;
	v7 =	vmul.f32 v15, v26;
	v6 =	vadd.f32 v11, v6  }
0x142: {  	s11 =	rddreg [dreg:$0x7];
	v9 =	vadd.f32 v10, v9;
	[tilespmem:$0x1C800] =	vst v8  }
0x143: {  	s11 =	sadd.s32 s9, s11;
	v5 =	vadd.f32 v7, v5;
	[tilespmem:$0x1C810] =	vst v6  }
0x144: {  	s11 =	sshrl.u32 s11, $0x3;
	[tilespmem:$0x1C820] =	vst v9  }
0x145: {  	s12 =	simm.s32 $0x1C800;
	s11 =	sadd.s32 s30, s11;
	[tilespmem:$0x1C830] =	vst v5  }
0x146: {  	[hbm4b:s11+s5] =	stream.linear.scatter [tilespmem:s12], [sflag:$0x1D], $0x40, $0x38;
	[tilespmem:$0x1CA80] =	vst v63  }
0x147: {  	_ =	swait.ge [sflag:s31], $0x40  }
0x148: {  	[sflag:s31] =	ssyncset.done $0x0  }
0x149: {  	s11 =	simm.s32 @!p0 $0x11;
	[sflag:s31] =	ssyncadd.s32 $0xFFFFFFC0  }
0x14a: {  	_ =	swait.ge @!p0 [sflag:s11], $0x40  }
0x14b: {  	[sflag:s11] =	ssyncset.done @!p0 $0x0  }
0x14c: {  	[sflag:s11] =	ssyncadd.s32 @!p0 $0xFFFFFFC0;
	s11 =	simm.s32 @!p0 $0x18  }
0x14d: {  	_ =	swait.ge @!p0 [sflag:s11], $0x40  }
0x14e: {  	s13 =	simm.s32 @!p0 $0x4000;
	[sflag:s11] =	ssyncset.done @!p0 $0x0  }
0x14f: {  	s12 =	simm.s32 @!p0 $0x1C100;
	[sflag:s11] =	ssyncadd.s32 @!p0 $0xFFFFFFC0;
	s11 =	simm.s32 @!p0 $0x40  }
0x150: {  	[tilespmem:s13], [sflag:$0x3] =	stream.indirect.gather @!p0 [hbm4b:s1+s11], $0x80, s12, s11, $0xb8;
	[tilespmem:$0x1CA80] =	vst v63  }
0x151: {  	s12 =	simm.s32 @!p0 $0x1C480;
	s13 =	simm.s32 @!p0 $0x12000  }
0x152: {  	[tilespmem:s13], [sflag:$0xA] =	stream.indirect.gather @!p0 [hbm4b:s3+s11], $0x80, s12, s11, $0xb8;
	[tilespmem:$0x1CA80] =	vst v63  }
0x153: {  	s11 =	rddreg [dreg:$0x1d]  }
0x154: {  	s11 =	sadd.s32 @!p0 s9, s11  }
0x155: {  	s11 =	sshrl.u32 @!p0 s11, $0x3  }
0x156: {  	s26 =	simm.s32 @!p0 $0x1C180;
	s13 =	simm.s32 @!p0 $0x0;
	s12 =	sadd.s32 @!p0 s7, s11  }
0x157: {  	[tilespmem:s26], [sflag:$0x12] =	stream.linear.gather @!p0 [hbm4b:s12+s13], $0x40, $0x38;
	[tilespmem:$0x1CA80] =	vst v63  }
0x158: {  	s26 =	simm.s32 $0x0  }
0x159: {  	s11 =	sadd.s32 @!p0 s4, s11;
	s12 =	simm.s32 @!p0 $0x1C500;
	v5 =	vadd.s32 s26, v0;
	s26 =	simm.s32 $0x4  }
0x15a: {  	[tilespmem:s12], [sflag:$0x19] =	stream.linear.gather @!p0 [hbm4b:s11+s13], $0x40, $0x38;
	[tilespmem:$0x1CA80] =	vst v63  }
0x15b: {  	v5 =	vand.u32 $0x7F, v5;
	_ =	swait.ge [sflag:s26], $0x2000  }
0x15c: {  	v6 =	vor.u32 v4, v5;
	[sflag:s26] =	ssyncset.done $0x0  }
0x15d: {  	s12 =	simm.s32 $0xB;
	[sflag:s26] =	ssyncadd.s32 $0xFFFFE000  }
0x15e: {  	v7 =	vor.u32 v1, v5;
	_ =	swait.ge [sflag:s12], $0x2000  }
0x15f: {  	[sflag:s12] =	ssyncset.done $0x0  }
0x160: {  	v8 =	vor.u32 v2, v5;
	[sflag:s12] =	ssyncadd.s32 $0xFFFFE000  }
0x161: {  	s13 =	simm.s32 $0x1;
	v11 =	vld.idx.msk [tilespmem:v6+s25+$0x0], $0xffff  }
0x162: {  	v5 =	vor.u32 v3, v5;
	v9 =	vadd.s32 s13, v0;
	v13 =	vld.idx.msk [tilespmem:v6+s19+$0x0], $0xffff  }
0x163: {  	v14 =	vand.u32 $0x7F, v9;
	v16 =	vld.idx.msk [tilespmem:v7+s25+$0x0], $0xffff  }
0x164: {  	v19 =	vor.u32 v4, v14;
	v20 =	vld.idx.msk [tilespmem:v7+s19+$0x0], $0xffff  }
0x165: {  	v6 =	vld.idx.msk [tilespmem:v8+s25+$0x0], $0xffff  }
0x166: {  	v15 =	vor.u32 v1, v14;
	v9 =	vld.idx.msk [tilespmem:v8+s19+$0x0], $0xffff  }
0x167: {  	v10 =	vld.idx.msk [tilespmem:v5+s25+$0x0], $0xffff  }
0x168: {  	v18 =	vor.u32 v2, v14;
	v12 =	vld.idx.msk [tilespmem:v5+s19+$0x0], $0xffff  }
0x169: {  	s26 =	simm.s32 $0x2;
	v17 =	vor.u32 v3, v14;
	v14 =	vimm.f32 $0.0e+00;
	v7 =	vld.idx.msk [tilespmem:v19+s25+$0x0], $0xffff;
	v5 =	vmul.f32 v13, v11  }
0x16a: {  	v8 =	vimm.f32 $0.0e+00;
	v13 =	vadd.s32 s26, v0;
	v11 =	vld.idx.msk [tilespmem:v19+s19+$0x0], $0xffff;
	v19 =	vmul.f32 v20, v16  }
0x16b: {  	s11 =	simm.s32 $0x3;
	v16 =	vld.idx.msk [tilespmem:v15+s25+$0x0], $0xffff;
	v20 =	vand.u32 $0x7F, v13;
	v13 =	vimm.f32 $0.0e+00;
	v5 =	vadd.f32 v5, v8  }
.LBB2_9:
0x16c: {  	p1 =	sne.s32 s11, $0x7F;
	v21 =	vor.u32 v2, v20;
	v22 =	vor.u32 v4, v20;
	v23 =	vld.idx.msk [tilespmem:v15+s19+$0x0], $0xffff;
	v15 =	vor.u32 v1, v20  }
0x16d: {  	v20 =	vor.u32 v3, v20;
	v8 =	vadd.f32 v19, v8;
	v19 =	vmul.f32 v9, v6;
	v6 =	vld.idx.msk [tilespmem:v18+s25+$0x0], $0xffff  }
0x16e: {  	v24 =	vmul.f32 v12, v10;
	v9 =	vld.idx.msk [tilespmem:v18+s19+$0x0], $0xffff;
	v18 =	vmov v21  }
.Ltmp3:
0x16f: {  	v13 =	vadd.f32 v19, v13;
	v10 =	vld.idx.msk [tilespmem:v17+s25+$0x0], $0xffff;
	(pc) =	sbr.rel @p1 .LBB2_9-.Ltmp3, $4  }
0x170: {  	v21 =	vmul.f32 v11, v7;
	v14 =	vadd.f32 v24, v14;
	v12 =	vld.idx.msk [tilespmem:v17+s19+$0x0], $0xffff;
	v17 =	vmov v20  }
0x171: {  	v7 =	vld.idx.msk [tilespmem:v22+s25+$0x0], $0xffff  }
0x172: {  	v20 =	vadd.s32 s11, v0;
	v19 =	vmul.f32 v23, v16;
	v5 =	vadd.f32 v21, v5;
	v11 =	vld.idx.msk [tilespmem:v22+s19+$0x0], $0xffff  }
0x173: {  	s11 =	sadd.s32 $0x1, s11;
	v20 =	vand.u32 $0x7F, v20;
	v16 =	vld.idx.msk [tilespmem:v15+s25+$0x0], $0xffff  }
0x174: {  	_ =	sdelay $0x3  }
0x175: {  	v21 =	vor.u32 v4, v20;
	v15 =	vld.idx.msk [tilespmem:v15+s19+$0x0], $0xffff  }
0x176: {  	v22 =	vor.u32 v1, v20;
	v23 =	vld.idx.msk [tilespmem:v18+s25+$0x0], $0xffff  }
0x177: {  	v18 =	vld.idx.msk [tilespmem:v18+s19+$0x0], $0xffff  }
0x178: {  	v24 =	vor.u32 v2, v20;
	v25 =	vld.idx.msk [tilespmem:v17+s25+$0x0], $0xffff  }
0x179: {  	v17 =	vld.idx.msk [tilespmem:v17+s19+$0x0], $0xffff  }
0x17a: {  	v20 =	vor.u32 v3, v20;
	v26 =	vld.idx.msk [tilespmem:v21+s25+$0x0], $0xffff  }
0x17b: {  	v27 =	vld.idx.msk [tilespmem:v22+s25+$0x0], $0xffff  }
0x17c: {  	v22 =	vld.idx.msk [tilespmem:v22+s19+$0x0], $0xffff  }
0x17d: {  	v28 =	vld.idx.msk [tilespmem:v24+s25+$0x0], $0xffff  }
0x17e: {  	v24 =	vld.idx.msk [tilespmem:v24+s19+$0x0], $0xffff  }
0x17f: {  	v29 =	vld.idx.msk [tilespmem:v20+s25+$0x0], $0xffff  }
0x180: {  	v6 =	vmul.f32 v9, v6;
	v9 =	vmul.f32 v12, v10;
	v10 =	vld.idx.msk [tilespmem:v20+s19+$0x0], $0xffff  }
0x181: {  	v8 =	vadd.f32 v19, v8;
	v12 =	vmul.f32 v15, v16;
	v15 =	vld.idx.msk [tilespmem:v21+s19+$0x0], $0xffff  }
0x182: {  	v6 =	vadd.f32 v6, v13;
	v9 =	vadd.f32 v9, v14;
	v13 =	vmul.f32 v18, v23  }
0x183: {  	v8 =	vadd.f32 v12, v8;
	v12 =	vmul.f32 v17, v25;
	v14 =	vmul.f32 v22, v27  }
0x184: {  	v7 =	vmul.f32 v11, v7;
	v6 =	vadd.f32 v13, v6;
	v11 =	vmul.f32 v24, v28  }
0x185: {  	v9 =	vadd.f32 v12, v9;
	v10 =	vmul.f32 v10, v29;
	v8 =	vadd.f32 v14, v8  }
0x186: {  	v5 =	vadd.f32 v7, v5;
	v7 =	vmul.f32 v15, v26;
	v6 =	vadd.f32 v11, v6  }
0x187: {  	s11 =	rddreg [dreg:$0xc];
	v9 =	vadd.f32 v10, v9;
	[tilespmem:$0x1C880] =	vst v8  }
0x188: {  	s11 =	sadd.s32 s9, s11;
	v5 =	vadd.f32 v7, v5;
	[tilespmem:$0x1C890] =	vst v6  }
0x189: {  	s11 =	sshrl.u32 s11, $0x3;
	[tilespmem:$0x1C8A0] =	vst v9  }
0x18a: {  	s12 =	simm.s32 $0x1C880;
	s11 =	sadd.s32 s30, s11;
	[tilespmem:$0x1C8B0] =	vst v5  }
0x18b: {  	[hbm4b:s11+s5] =	stream.linear.scatter [tilespmem:s12], [sflag:$0x1D], $0x40, $0x38;
	[tilespmem:$0x1CA80] =	vst v63  }
0x18c: {  	_ =	swait.ge [sflag:s31], $0x40  }
0x18d: {  	[sflag:s31] =	ssyncset.done $0x0  }
0x18e: {  	s11 =	simm.s32 @!p0 $0x12;
	[sflag:s31] =	ssyncadd.s32 $0xFFFFFFC0  }
0x18f: {  	_ =	swait.ge @!p0 [sflag:s11], $0x40  }
0x190: {  	[sflag:s11] =	ssyncset.done @!p0 $0x0  }
0x191: {  	[sflag:s11] =	ssyncadd.s32 @!p0 $0xFFFFFFC0;
	s11 =	simm.s32 @!p0 $0x19  }
0x192: {  	_ =	swait.ge @!p0 [sflag:s11], $0x40  }
0x193: {  	s13 =	simm.s32 @!p0 $0x6000;
	[sflag:s11] =	ssyncset.done @!p0 $0x0  }
0x194: {  	s12 =	simm.s32 @!p0 $0x1C180;
	[sflag:s11] =	ssyncadd.s32 @!p0 $0xFFFFFFC0;
	s11 =	simm.s32 @!p0 $0x40  }
0x195: {  	[tilespmem:s13], [sflag:$0x4] =	stream.indirect.gather @!p0 [hbm4b:s1+s11], $0x80, s12, s11, $0xb8;
	[tilespmem:$0x1CA80] =	vst v63  }
0x196: {  	s12 =	simm.s32 @!p0 $0x1C500;
	s13 =	simm.s32 @!p0 $0x14000  }
0x197: {  	[tilespmem:s13], [sflag:$0xB] =	stream.indirect.gather @!p0 [hbm4b:s3+s11], $0x80, s12, s11, $0xb8;
	[tilespmem:$0x1CA80] =	vst v63  }
0x198: {  	s11 =	rddreg [dreg:$0x1e]  }
0x199: {  	s11 =	sadd.s32 @!p0 s9, s11  }
0x19a: {  	s11 =	sshrl.u32 @!p0 s11, $0x3  }
0x19b: {  	s26 =	simm.s32 @!p0 $0x1C200;
	s13 =	simm.s32 @!p0 $0x0;
	s12 =	sadd.s32 @!p0 s7, s11  }
0x19c: {  	[tilespmem:s26], [sflag:$0x13] =	stream.linear.gather @!p0 [hbm4b:s12+s13], $0x40, $0x38;
	[tilespmem:$0x1CA80] =	vst v63  }
0x19d: {  	s11 =	sadd.s32 @!p0 s4, s11;
	s12 =	simm.s32 @!p0 $0x1C580;
	s26 =	simm.s32 $0x0  }
0x19e: {  	[tilespmem:s12], [sflag:$0x1A] =	stream.linear.gather @!p0 [hbm4b:s11+s13], $0x40, $0x38;
	[tilespmem:$0x1CA80] =	vst v63  }
0x19f: {  	v5 =	vadd.s32 s26, v0;
	s12 =	simm.s32 $0x5  }
0x1a0: {  	v5 =	vand.u32 $0x7F, v5;
	_ =	swait.ge [sflag:s12], $0x2000  }
0x1a1: {  	v6 =	vor.u32 v4, v5;
	[sflag:s12] =	ssyncset.done $0x0  }
0x1a2: {  	[sflag:s12] =	ssyncadd.s32 $0xFFFFE000  }
0x1a3: {  	v7 =	vor.u32 v1, v5;
	_ =	swait.ge [sflag:s10], $0x2000  }
0x1a4: {  	[sflag:s10] =	ssyncset.done $0x0  }
0x1a5: {  	v8 =	vor.u32 v2, v5;
	[sflag:s10] =	ssyncadd.s32 $0xFFFFE000  }
0x1a6: {  	s13 =	simm.s32 $0x1;
	v11 =	vld.idx.msk [tilespmem:v6+s14+$0x0], $0xffff  }
0x1a7: {  	v5 =	vor.u32 v3, v5;
	v9 =	vadd.s32 s13, v0;
	v13 =	vld.idx.msk [tilespmem:v6+s24+$0x0], $0xffff  }
0x1a8: {  	v14 =	vand.u32 $0x7F, v9;
	v16 =	vld.idx.msk [tilespmem:v7+s14+$0x0], $0xffff  }
0x1a9: {  	v19 =	vor.u32 v4, v14;
	v20 =	vld.idx.msk [tilespmem:v7+s24+$0x0], $0xffff  }
0x1aa: {  	v6 =	vld.idx.msk [tilespmem:v8+s14+$0x0], $0xffff  }
0x1ab: {  	v15 =	vor.u32 v1, v14;
	v9 =	vld.idx.msk [tilespmem:v8+s24+$0x0], $0xffff  }
0x1ac: {  	v10 =	vld.idx.msk [tilespmem:v5+s14+$0x0], $0xffff  }
0x1ad: {  	v18 =	vor.u32 v2, v14;
	v12 =	vld.idx.msk [tilespmem:v5+s24+$0x0], $0xffff  }
0x1ae: {  	s26 =	simm.s32 $0x2;
	v17 =	vor.u32 v3, v14;
	v14 =	vimm.f32 $0.0e+00;
	v7 =	vld.idx.msk [tilespmem:v19+s14+$0x0], $0xffff;
	v5 =	vmul.f32 v13, v11  }
0x1af: {  	v8 =	vimm.f32 $0.0e+00;
	v13 =	vadd.s32 s26, v0;
	v11 =	vld.idx.msk [tilespmem:v19+s24+$0x0], $0xffff;
	v19 =	vmul.f32 v20, v16  }
0x1b0: {  	s11 =	simm.s32 $0x3;
	v16 =	vld.idx.msk [tilespmem:v15+s14+$0x0], $0xffff;
	v20 =	vand.u32 $0x7F, v13;
	v13 =	vimm.f32 $0.0e+00;
	v5 =	vadd.f32 v5, v8  }
.LBB2_11:
0x1b1: {  	p1 =	sne.s32 s11, $0x7F;
	v21 =	vor.u32 v2, v20;
	v22 =	vor.u32 v4, v20;
	v23 =	vld.idx.msk [tilespmem:v15+s24+$0x0], $0xffff;
	v15 =	vor.u32 v1, v20  }
0x1b2: {  	v20 =	vor.u32 v3, v20;
	v8 =	vadd.f32 v19, v8;
	v19 =	vmul.f32 v9, v6;
	v6 =	vld.idx.msk [tilespmem:v18+s14+$0x0], $0xffff  }
0x1b3: {  	v24 =	vmul.f32 v12, v10;
	v9 =	vld.idx.msk [tilespmem:v18+s24+$0x0], $0xffff;
	v18 =	vmov v21  }
.Ltmp4:
0x1b4: {  	v13 =	vadd.f32 v19, v13;
	v10 =	vld.idx.msk [tilespmem:v17+s14+$0x0], $0xffff;
	(pc) =	sbr.rel @p1 .LBB2_11-.Ltmp4, $4  }
0x1b5: {  	v21 =	vmul.f32 v11, v7;
	v14 =	vadd.f32 v24, v14;
	v12 =	vld.idx.msk [tilespmem:v17+s24+$0x0], $0xffff;
	v17 =	vmov v20  }
0x1b6: {  	v7 =	vld.idx.msk [tilespmem:v22+s14+$0x0], $0xffff  }
0x1b7: {  	v20 =	vadd.s32 s11, v0;
	v19 =	vmul.f32 v23, v16;
	v5 =	vadd.f32 v21, v5;
	v11 =	vld.idx.msk [tilespmem:v22+s24+$0x0], $0xffff  }
0x1b8: {  	s11 =	sadd.s32 $0x1, s11;
	v20 =	vand.u32 $0x7F, v20;
	v16 =	vld.idx.msk [tilespmem:v15+s14+$0x0], $0xffff  }
0x1b9: {  	_ =	sdelay $0x3  }
0x1ba: {  	v21 =	vor.u32 v4, v20;
	v15 =	vld.idx.msk [tilespmem:v15+s24+$0x0], $0xffff  }
0x1bb: {  	v22 =	vor.u32 v1, v20;
	v23 =	vld.idx.msk [tilespmem:v18+s14+$0x0], $0xffff  }
0x1bc: {  	v18 =	vld.idx.msk [tilespmem:v18+s24+$0x0], $0xffff  }
0x1bd: {  	v24 =	vor.u32 v2, v20;
	v25 =	vld.idx.msk [tilespmem:v17+s14+$0x0], $0xffff  }
0x1be: {  	v17 =	vld.idx.msk [tilespmem:v17+s24+$0x0], $0xffff  }
0x1bf: {  	v20 =	vor.u32 v3, v20;
	v26 =	vld.idx.msk [tilespmem:v21+s14+$0x0], $0xffff  }
0x1c0: {  	v27 =	vld.idx.msk [tilespmem:v22+s14+$0x0], $0xffff  }
0x1c1: {  	v22 =	vld.idx.msk [tilespmem:v22+s24+$0x0], $0xffff  }
0x1c2: {  	v28 =	vld.idx.msk [tilespmem:v24+s14+$0x0], $0xffff  }
0x1c3: {  	v24 =	vld.idx.msk [tilespmem:v24+s24+$0x0], $0xffff  }
0x1c4: {  	v29 =	vld.idx.msk [tilespmem:v20+s14+$0x0], $0xffff  }
0x1c5: {  	v6 =	vmul.f32 v9, v6;
	v9 =	vmul.f32 v12, v10;
	v10 =	vld.idx.msk [tilespmem:v20+s24+$0x0], $0xffff  }
0x1c6: {  	v8 =	vadd.f32 v19, v8;
	v12 =	vmul.f32 v15, v16;
	v15 =	vld.idx.msk [tilespmem:v21+s24+$0x0], $0xffff  }
0x1c7: {  	v6 =	vadd.f32 v6, v13;
	v9 =	vadd.f32 v9, v14;
	v13 =	vmul.f32 v18, v23  }
0x1c8: {  	v8 =	vadd.f32 v12, v8;
	v12 =	vmul.f32 v17, v25;
	v14 =	vmul.f32 v22, v27  }
0x1c9: {  	v7 =	vmul.f32 v11, v7;
	v6 =	vadd.f32 v13, v6;
	v11 =	vmul.f32 v24, v28  }
0x1ca: {  	v9 =	vadd.f32 v12, v9;
	v10 =	vmul.f32 v10, v29;
	v8 =	vadd.f32 v14, v8  }
0x1cb: {  	v5 =	vadd.f32 v7, v5;
	v7 =	vmul.f32 v15, v26;
	v6 =	vadd.f32 v11, v6  }
0x1cc: {  	s11 =	rddreg [dreg:$0xe];
	v9 =	vadd.f32 v10, v9;
	[tilespmem:$0x1C900] =	vst v8  }
0x1cd: {  	s11 =	sadd.s32 s9, s11;
	v5 =	vadd.f32 v7, v5;
	[tilespmem:$0x1C910] =	vst v6  }
0x1ce: {  	s11 =	sshrl.u32 s11, $0x3;
	[tilespmem:$0x1C920] =	vst v9  }
0x1cf: {  	s12 =	simm.s32 $0x1C900;
	s11 =	sadd.s32 s30, s11;
	[tilespmem:$0x1C930] =	vst v5  }
0x1d0: {  	[hbm4b:s11+s5] =	stream.linear.scatter [tilespmem:s12], [sflag:$0x1D], $0x40, $0x38;
	[tilespmem:$0x1CA80] =	vst v63  }
0x1d1: {  	_ =	swait.ge [sflag:s31], $0x40  }
0x1d2: {  	[sflag:s31] =	ssyncset.done $0x0  }
0x1d3: {  	s11 =	simm.s32 @!p0 $0x13;
	[sflag:s31] =	ssyncadd.s32 $0xFFFFFFC0  }
0x1d4: {  	_ =	swait.ge @!p0 [sflag:s11], $0x40  }
0x1d5: {  	[sflag:s11] =	ssyncset.done @!p0 $0x0  }
0x1d6: {  	[sflag:s11] =	ssyncadd.s32 @!p0 $0xFFFFFFC0;
	s11 =	simm.s32 @!p0 $0x1A  }
0x1d7: {  	_ =	swait.ge @!p0 [sflag:s11], $0x40  }
0x1d8: {  	s13 =	simm.s32 @!p0 $0x8000;
	[sflag:s11] =	ssyncset.done @!p0 $0x0  }
0x1d9: {  	s12 =	simm.s32 @!p0 $0x1C200;
	[sflag:s11] =	ssyncadd.s32 @!p0 $0xFFFFFFC0;
	s11 =	simm.s32 @!p0 $0x40  }
0x1da: {  	[tilespmem:s13], [sflag:$0x5] =	stream.indirect.gather @!p0 [hbm4b:s1+s11], $0x80, s12, s11, $0xb8;
	[tilespmem:$0x1CA80] =	vst v63  }
0x1db: {  	s12 =	simm.s32 @!p0 $0x1C580;
	s13 =	simm.s32 @!p0 $0x16000  }
0x1dc: {  	[tilespmem:s13], [sflag:$0xC] =	stream.indirect.gather @!p0 [hbm4b:s3+s11], $0x80, s12, s11, $0xb8;
	[tilespmem:$0x1CA80] =	vst v63  }
0x1dd: {  	s11 =	rddreg [dreg:$0x1f]  }
0x1de: {  	s11 =	sadd.s32 @!p0 s9, s11  }
0x1df: {  	s11 =	sshrl.u32 @!p0 s11, $0x3  }
0x1e0: {  	s26 =	simm.s32 @!p0 $0x1C280;
	s13 =	simm.s32 @!p0 $0x0;
	s12 =	sadd.s32 @!p0 s7, s11  }
0x1e1: {  	[tilespmem:s26], [sflag:$0x14] =	stream.linear.gather @!p0 [hbm4b:s12+s13], $0x40, $0x38;
	[tilespmem:$0x1CA80] =	vst v63  }
0x1e2: {  	s11 =	sadd.s32 @!p0 s4, s11;
	s12 =	simm.s32 @!p0 $0x1C600;
	s26 =	simm.s32 $0x0  }
0x1e3: {  	v5 =	vadd.s32 s26, v0;
	[tilespmem:s12], [sflag:$0x1B] =	stream.linear.gather @!p0 [hbm4b:s11+s13], $0x40, $0x38;
	[tilespmem:$0x1CA80] =	vst v63  }
0x1e4: {  	v5 =	vand.u32 $0x7F, v5;
	_ =	swait.ge [sflag:s15], $0x2000  }
0x1e5: {  	v6 =	vor.u32 v4, v5;
	[sflag:s15] =	ssyncset.done $0x0  }
0x1e6: {  	[sflag:s15] =	ssyncadd.s32 $0xFFFFE000  }
0x1e7: {  	v7 =	vor.u32 v1, v5;
	_ =	swait.ge [sflag:s21], $0x2000  }
0x1e8: {  	[sflag:s21] =	ssyncset.done $0x0  }
0x1e9: {  	v8 =	vor.u32 v2, v5;
	[sflag:s21] =	ssyncadd.s32 $0xFFFFE000  }
0x1ea: {  	s13 =	simm.s32 $0x1;
	v11 =	vld.idx.msk [tilespmem:v6+s16+$0x0], $0xffff  }
0x1eb: {  	v5 =	vor.u32 v3, v5;
	v9 =	vadd.s32 s13, v0;
	v13 =	vld.idx.msk [tilespmem:v6+s8+$0x0], $0xffff  }
0x1ec: {  	v14 =	vand.u32 $0x7F, v9;
	v16 =	vld.idx.msk [tilespmem:v7+s16+$0x0], $0xffff  }
0x1ed: {  	v19 =	vor.u32 v4, v14;
	v20 =	vld.idx.msk [tilespmem:v7+s8+$0x0], $0xffff  }
0x1ee: {  	v6 =	vld.idx.msk [tilespmem:v8+s16+$0x0], $0xffff  }
0x1ef: {  	v15 =	vor.u32 v1, v14;
	v9 =	vld.idx.msk [tilespmem:v8+s8+$0x0], $0xffff  }
0x1f0: {  	v10 =	vld.idx.msk [tilespmem:v5+s16+$0x0], $0xffff  }
0x1f1: {  	v18 =	vor.u32 v2, v14;
	v12 =	vld.idx.msk [tilespmem:v5+s8+$0x0], $0xffff  }
0x1f2: {  	s26 =	simm.s32 $0x2;
	v17 =	vor.u32 v3, v14;
	v14 =	vimm.f32 $0.0e+00;
	v7 =	vld.idx.msk [tilespmem:v19+s16+$0x0], $0xffff;
	v5 =	vmul.f32 v13, v11  }
0x1f3: {  	v8 =	vimm.f32 $0.0e+00;
	v13 =	vadd.s32 s26, v0;
	v11 =	vld.idx.msk [tilespmem:v19+s8+$0x0], $0xffff;
	v19 =	vmul.f32 v20, v16  }
0x1f4: {  	s11 =	simm.s32 $0x3;
	v16 =	vld.idx.msk [tilespmem:v15+s16+$0x0], $0xffff;
	v20 =	vand.u32 $0x7F, v13;
	v13 =	vimm.f32 $0.0e+00;
	v5 =	vadd.f32 v5, v8  }
.LBB2_13:
0x1f5: {  	p1 =	sne.s32 s11, $0x7F;
	v21 =	vor.u32 v2, v20;
	v22 =	vor.u32 v4, v20;
	v23 =	vld.idx.msk [tilespmem:v15+s8+$0x0], $0xffff;
	v15 =	vor.u32 v1, v20  }
0x1f6: {  	v20 =	vor.u32 v3, v20;
	v8 =	vadd.f32 v19, v8;
	v19 =	vmul.f32 v9, v6;
	v6 =	vld.idx.msk [tilespmem:v18+s16+$0x0], $0xffff  }
0x1f7: {  	v24 =	vmul.f32 v12, v10;
	v9 =	vld.idx.msk [tilespmem:v18+s8+$0x0], $0xffff;
	v18 =	vmov v21  }
.Ltmp5:
0x1f8: {  	v13 =	vadd.f32 v19, v13;
	v10 =	vld.idx.msk [tilespmem:v17+s16+$0x0], $0xffff;
	(pc) =	sbr.rel @p1 .LBB2_13-.Ltmp5, $4  }
0x1f9: {  	v21 =	vmul.f32 v11, v7;
	v14 =	vadd.f32 v24, v14;
	v12 =	vld.idx.msk [tilespmem:v17+s8+$0x0], $0xffff;
	v17 =	vmov v20  }
0x1fa: {  	v7 =	vld.idx.msk [tilespmem:v22+s16+$0x0], $0xffff  }
0x1fb: {  	v20 =	vadd.s32 s11, v0;
	v19 =	vmul.f32 v23, v16;
	v5 =	vadd.f32 v21, v5;
	v11 =	vld.idx.msk [tilespmem:v22+s8+$0x0], $0xffff  }
0x1fc: {  	s11 =	sadd.s32 $0x1, s11;
	v20 =	vand.u32 $0x7F, v20;
	v16 =	vld.idx.msk [tilespmem:v15+s16+$0x0], $0xffff  }
0x1fd: {  	_ =	sdelay $0x3  }
0x1fe: {  	v21 =	vor.u32 v4, v20;
	v15 =	vld.idx.msk [tilespmem:v15+s8+$0x0], $0xffff  }
0x1ff: {  	v22 =	vor.u32 v1, v20;
	v23 =	vld.idx.msk [tilespmem:v18+s16+$0x0], $0xffff  }
0x200: {  	v18 =	vld.idx.msk [tilespmem:v18+s8+$0x0], $0xffff  }
0x201: {  	v24 =	vor.u32 v2, v20;
	v25 =	vld.idx.msk [tilespmem:v17+s16+$0x0], $0xffff  }
0x202: {  	v17 =	vld.idx.msk [tilespmem:v17+s8+$0x0], $0xffff  }
0x203: {  	v20 =	vor.u32 v3, v20;
	v26 =	vld.idx.msk [tilespmem:v21+s16+$0x0], $0xffff  }
0x204: {  	v27 =	vld.idx.msk [tilespmem:v22+s16+$0x0], $0xffff  }
0x205: {  	v22 =	vld.idx.msk [tilespmem:v22+s8+$0x0], $0xffff  }
0x206: {  	v28 =	vld.idx.msk [tilespmem:v24+s16+$0x0], $0xffff  }
0x207: {  	v24 =	vld.idx.msk [tilespmem:v24+s8+$0x0], $0xffff  }
0x208: {  	v29 =	vld.idx.msk [tilespmem:v20+s16+$0x0], $0xffff  }
0x209: {  	v6 =	vmul.f32 v9, v6;
	v9 =	vmul.f32 v12, v10;
	v10 =	vld.idx.msk [tilespmem:v20+s8+$0x0], $0xffff  }
0x20a: {  	v8 =	vadd.f32 v19, v8;
	v12 =	vmul.f32 v15, v16;
	v15 =	vld.idx.msk [tilespmem:v21+s8+$0x0], $0xffff  }
0x20b: {  	v6 =	vadd.f32 v6, v13;
	v9 =	vadd.f32 v9, v14;
	v13 =	vmul.f32 v18, v23  }
0x20c: {  	v8 =	vadd.f32 v12, v8;
	v12 =	vmul.f32 v17, v25;
	v14 =	vmul.f32 v22, v27  }
0x20d: {  	v7 =	vmul.f32 v11, v7;
	v6 =	vadd.f32 v13, v6;
	v11 =	vmul.f32 v24, v28  }
0x20e: {  	v9 =	vadd.f32 v12, v9;
	v10 =	vmul.f32 v10, v29;
	v8 =	vadd.f32 v14, v8  }
0x20f: {  	v5 =	vadd.f32 v7, v5;
	v7 =	vmul.f32 v15, v26;
	v6 =	vadd.f32 v11, v6  }
0x210: {  	s11 =	rddreg [dreg:$0x12];
	v9 =	vadd.f32 v10, v9;
	[tilespmem:$0x1C980] =	vst v8  }
0x211: {  	s11 =	sadd.s32 s9, s11;
	v5 =	vadd.f32 v7, v5;
	[tilespmem:$0x1C990] =	vst v6  }
0x212: {  	s11 =	sshrl.u32 s11, $0x3;
	[tilespmem:$0x1C9A0] =	vst v9  }
0x213: {  	s12 =	simm.s32 $0x1C980;
	s11 =	sadd.s32 s30, s11;
	[tilespmem:$0x1C9B0] =	vst v5  }
0x214: {  	[hbm4b:s11+s5] =	stream.linear.scatter [tilespmem:s12], [sflag:$0x1D], $0x40, $0x38;
	[tilespmem:$0x1CA80] =	vst v63  }
0x215: {  	_ =	swait.ge [sflag:s31], $0x40  }
0x216: {  	[sflag:s31] =	ssyncset.done $0x0  }
0x217: {  	s11 =	simm.s32 @!p0 $0x14;
	[sflag:s31] =	ssyncadd.s32 $0xFFFFFFC0  }
0x218: {  	_ =	swait.ge @!p0 [sflag:s11], $0x40  }
0x219: {  	[sflag:s11] =	ssyncset.done @!p0 $0x0  }
0x21a: {  	[sflag:s11] =	ssyncadd.s32 @!p0 $0xFFFFFFC0;
	s11 =	simm.s32 @!p0 $0x1B  }
0x21b: {  	_ =	swait.ge @!p0 [sflag:s11], $0x40  }
0x21c: {  	s13 =	simm.s32 @!p0 $0xA000;
	[sflag:s11] =	ssyncset.done @!p0 $0x0  }
0x21d: {  	s12 =	simm.s32 @!p0 $0x1C280;
	[sflag:s11] =	ssyncadd.s32 @!p0 $0xFFFFFFC0;
	s11 =	simm.s32 @!p0 $0x40  }
0x21e: {  	[tilespmem:s13], [sflag:$0x6] =	stream.indirect.gather @!p0 [hbm4b:s1+s11], $0x80, s12, s11, $0xb8;
	[tilespmem:$0x1CA80] =	vst v63  }
0x21f: {  	s12 =	simm.s32 @!p0 $0x1C600;
	s13 =	simm.s32 @!p0 $0x18000  }
0x220: {  	[tilespmem:s13], [sflag:$0xD] =	stream.indirect.gather @!p0 [hbm4b:s3+s11], $0x80, s12, s11, $0xb8;
	[tilespmem:$0x1CA80] =	vst v63  }
0x221: {  	s11 =	sld [smem:$0x7FD];
	_ =	sdelay $0x2  }
0x222: {  	s11 =	sadd.s32 @!p0 s9, s11  }
0x223: {  	s11 =	sshrl.u32 @!p0 s11, $0x3  }
0x224: {  	s26 =	simm.s32 @!p0 $0x1C300;
	s13 =	simm.s32 @!p0 $0x0;
	s12 =	sadd.s32 @!p0 s7, s11  }
0x225: {  	[tilespmem:s26], [sflag:$0x15] =	stream.linear.gather @!p0 [hbm4b:s12+s13], $0x40, $0x38;
	[tilespmem:$0x1CA80] =	vst v63  }
0x226: {  	s11 =	sadd.s32 @!p0 s4, s11;
	s12 =	simm.s32 @!p0 $0x1C680;
	s26 =	simm.s32 $0x0  }
0x227: {  	v5 =	vadd.s32 s26, v0;
	[tilespmem:s12], [sflag:$0x1C] =	stream.linear.gather @!p0 [hbm4b:s11+s13], $0x40, $0x38;
	[tilespmem:$0x1CA80] =	vst v63  }
0x228: {  	v5 =	vand.u32 $0x7F, v5;
	_ =	swait.ge [sflag:s22], $0x2000  }
0x229: {  	v6 =	vor.u32 v4, v5;
	[sflag:s22] =	ssyncset.done $0x0  }
0x22a: {  	[sflag:s22] =	ssyncadd.s32 $0xFFFFE000  }
0x22b: {  	v7 =	vor.u32 v1, v5;
	_ =	swait.ge [sflag:s2], $0x2000  }
0x22c: {  	[sflag:s2] =	ssyncset.done $0x0  }
0x22d: {  	v8 =	vor.u32 v2, v5;
	[sflag:s2] =	ssyncadd.s32 $0xFFFFE000  }
0x22e: {  	s13 =	simm.s32 $0x1;
	v11 =	vld.idx.msk [tilespmem:v6+s6+$0x0], $0xffff  }
0x22f: {  	v5 =	vor.u32 v3, v5;
	v9 =	vadd.s32 s13, v0;
	v13 =	vld.idx.msk [tilespmem:v6+s17+$0x0], $0xffff  }
0x230: {  	v14 =	vand.u32 $0x7F, v9;
	v16 =	vld.idx.msk [tilespmem:v7+s6+$0x0], $0xffff  }
0x231: {  	v19 =	vor.u32 v4, v14;
	v20 =	vld.idx.msk [tilespmem:v7+s17+$0x0], $0xffff  }
0x232: {  	v6 =	vld.idx.msk [tilespmem:v8+s6+$0x0], $0xffff  }
0x233: {  	v15 =	vor.u32 v1, v14;
	v9 =	vld.idx.msk [tilespmem:v8+s17+$0x0], $0xffff  }
0x234: {  	v10 =	vld.idx.msk [tilespmem:v5+s6+$0x0], $0xffff  }
0x235: {  	v18 =	vor.u32 v2, v14;
	v12 =	vld.idx.msk [tilespmem:v5+s17+$0x0], $0xffff  }
0x236: {  	s26 =	simm.s32 $0x2;
	v17 =	vor.u32 v3, v14;
	v14 =	vimm.f32 $0.0e+00;
	v7 =	vld.idx.msk [tilespmem:v19+s6+$0x0], $0xffff;
	v5 =	vmul.f32 v13, v11  }
0x237: {  	v8 =	vimm.f32 $0.0e+00;
	v13 =	vadd.s32 s26, v0;
	v11 =	vld.idx.msk [tilespmem:v19+s17+$0x0], $0xffff;
	v19 =	vmul.f32 v20, v16  }
0x238: {  	s11 =	simm.s32 $0x3;
	v16 =	vld.idx.msk [tilespmem:v15+s6+$0x0], $0xffff;
	v20 =	vand.u32 $0x7F, v13;
	v13 =	vimm.f32 $0.0e+00;
	v5 =	vadd.f32 v5, v8  }
.LBB2_15:
0x239: {  	p0 =	sne.s32 s11, $0x7F;
	v21 =	vor.u32 v2, v20;
	v22 =	vor.u32 v4, v20;
	v23 =	vld.idx.msk [tilespmem:v15+s17+$0x0], $0xffff;
	v15 =	vor.u32 v1, v20  }
0x23a: {  	v20 =	vor.u32 v3, v20;
	v8 =	vadd.f32 v19, v8;
	v19 =	vmul.f32 v9, v6;
	v6 =	vld.idx.msk [tilespmem:v18+s6+$0x0], $0xffff  }
0x23b: {  	v24 =	vmul.f32 v12, v10;
	v9 =	vld.idx.msk [tilespmem:v18+s17+$0x0], $0xffff;
	v18 =	vmov v21  }
.Ltmp6:
0x23c: {  	v13 =	vadd.f32 v19, v13;
	v10 =	vld.idx.msk [tilespmem:v17+s6+$0x0], $0xffff;
	(pc) =	sbr.rel @p0 .LBB2_15-.Ltmp6, $4  }
0x23d: {  	v21 =	vmul.f32 v11, v7;
	v14 =	vadd.f32 v24, v14;
	v12 =	vld.idx.msk [tilespmem:v17+s17+$0x0], $0xffff;
	v17 =	vmov v20  }
0x23e: {  	v7 =	vld.idx.msk [tilespmem:v22+s6+$0x0], $0xffff  }
0x23f: {  	v20 =	vadd.s32 s11, v0;
	v19 =	vmul.f32 v23, v16;
	v5 =	vadd.f32 v21, v5;
	v11 =	vld.idx.msk [tilespmem:v22+s17+$0x0], $0xffff  }
0x240: {  	s11 =	sadd.s32 $0x1, s11;
	v20 =	vand.u32 $0x7F, v20;
	v16 =	vld.idx.msk [tilespmem:v15+s6+$0x0], $0xffff  }
0x241: {  	_ =	sdelay $0x3  }
0x242: {  	v21 =	vor.u32 v4, v20;
	v15 =	vld.idx.msk [tilespmem:v15+s17+$0x0], $0xffff  }
0x243: {  	v22 =	vor.u32 v1, v20;
	v23 =	vld.idx.msk [tilespmem:v18+s6+$0x0], $0xffff  }
0x244: {  	v53 =	vld.idx.msk [tilespmem:v18+s17+$0x0], $0xffff  }
0x245: {  	v24 =	vor.u32 v2, v20;
	v25 =	vld.idx.msk [tilespmem:v17+s6+$0x0], $0xffff  }
0x246: {  	v54 =	vld.idx.msk [tilespmem:v17+s17+$0x0], $0xffff  }
0x247: {  	v55 =	vor.u32 v3, v20;
	v26 =	vld.idx.msk [tilespmem:v21+s6+$0x0], $0xffff  }
0x248: {  	v27 =	vld.idx.msk [tilespmem:v22+s6+$0x0], $0xffff  }
0x249: {  	v22 =	vld.idx.msk [tilespmem:v22+s17+$0x0], $0xffff  }
0x24a: {  	v28 =	vld.idx.msk [tilespmem:v24+s6+$0x0], $0xffff  }
0x24b: {  	v24 =	vld.idx.msk [tilespmem:v24+s17+$0x0], $0xffff  }
0x24c: {  	v29 =	vld.idx.msk [tilespmem:v55+s6+$0x0], $0xffff  }
0x24d: {  	v6 =	vmul.f32 v9, v6;
	v56 =	vmul.f32 v12, v10;
	v57 =	vld.idx.msk [tilespmem:v55+s17+$0x0], $0xffff  }
0x24e: {  	v8 =	vadd.f32 v19, v8;
	v58 =	vmul.f32 v15, v16;
	v59 =	vld.idx.msk [tilespmem:v21+s17+$0x0], $0xffff  }
0x24f: {  	v6 =	vadd.f32 v6, v13;
	v9 =	vadd.f32 v56, v14;
	v60 =	vmul.f32 v53, v23  }
0x250: {  	v61 =	vmul.f32 v54, v25;
	v8 =	vadd.f32 v58, v8;
	v62 =	vmul.f32 v22, v27  }
0x251: {  	v7 =	vmul.f32 v11, v7;
	v6 =	vadd.f32 v60, v6;
	v63 =	vmul.f32 v24, v28  }
0x252: {  	v9 =	vadd.f32 v61, v9;
	v10 =	vmul.f32 v57, v29;
	v8 =	vadd.f32 v62, v8  }
0x253: {  	v5 =	vadd.f32 v7, v5;
	v7 =	vmul.f32 v59, v26;
	v6 =	vadd.f32 v63, v6  }
0x254: {  	s11 =	rddreg [dreg:$0x13];
	v9 =	vadd.f32 v10, v9;
	[tilespmem:$0x1CA00] =	vst v8  }
0x255: {  	s0 =	sadd.s32 $0x1, s0;
	s9 =	sadd.s32 s9, s11;
	v5 =	vadd.f32 v7, v5;
	[tilespmem:$0x1CA10] =	vst v6  }
0x256: {  	p0 =	sne.s32 s0, $0x23;
	s9 =	sshrl.u32 s9, $0x3;
	[tilespmem:$0x1CA20] =	vst v9  }
.Ltmp7:
0x257: {  	s26 =	simm.s32 $0x1CA00;
	s9 =	sadd.s32 s30, s9;
	[tilespmem:$0x1CA30] =	vst v5;
	(pc) =	sbr.rel @p0 .LBB2_2-.Ltmp7, $4  }
0x258: {  	[hbm4b:s9+s5] =	stream.linear.scatter [tilespmem:s26], [sflag:$0x1D], $0x40, $0x38;
	[tilespmem:$0x1CA80] =	vst v63  }
0x259: {  	_ =	swait.ge [sflag:s31], $0x40  }
0x25a: {  	[sflag:s31] =	ssyncset.done $0x0  }
0x25b: {  	[sflag:s31] =	ssyncadd.s32 $0xFFFFFFC0  }
0x25c: {  	s9 =	sld [smem:$0x7FC];
	_ =	sdelay $0x2  }
0x25d: {  	s0 =	rddreg [dreg:$0x19];
	s9 =	sadd.s32 $0x1, s9  }
0x25e: {  	p0 =	sne.s32 s9, s0  }
.Ltmp8:
0x25f: {  	_ = 	snop;
	(pc) =	sbr.rel @p0 .LBB2_1-.Ltmp8, $1  }
0x260: {  	_ =	sdelay $0x3  }
0x261: {  	_ =	sfence.sel $0x180000  }
0x262: {  	[bflag:$0x0] =	sbarrier.arrive $0xFFFF  }
0x263: {  	_ =	strace $0x90000047  }
0x264: {  	s0 =	stileid.u32;
	[bflag:$0x2] =	sbarrier.arrive $0xFFFF  }
0x265: {  	p0 =	sne.s32 s0, $0x0;
	s0 =	rddreg [dreg:$0x3]  }
0x266: {  	s0 =	sadd.s32 @!p0 $0x100000, s0  }
0x267: {  	[sflag:s0] =	ssyncadd.tile.s32 @!p0 $0x1;
	_ =	shalt  }
.Lfunc_end2:
_tile_overlayer_lowered:
.L_overlay_start_2:
0x268: {  	(tag) =	ssettag $0x2  }
0x269: {  	s0 =	rddreg [dreg:$0x0];
	s2 =	stileid.u32  }
0x26a: {  	s1 =	rddreg [dreg:$0x1];
	p0 =	sne.s32 s2, $0x0  }
0x26b: {  	s3 =	rddreg [dreg:$0x2];
	[bflag:$0x3] =	sbarrier.arrive $0xFFFF;
	s2 =	simm.s32 @!p0 $0x1C1D  }
0x26c: {  	[timem:s3], [sflag:s2] =	dma.local @!p0 [hbm:s0], s1  }
0x26d: {  	s0 =	simm.s32 @!p0 $0x1D  }
0x26e: {  	_ =	swait.ge @!p0 [sflag:s0], s1  }
0x26f: {  	s1 =	ssub.s32 @!p0 $0x0, s1;
	[sflag:s0] =	ssyncset.done @!p0 $0x0  }
0x270: {  	[sflag:s0] =	ssyncadd.s32 @!p0 s1  }
0x271: {  	[bflag:$0x3] =	sbarrier.arrive $0xFFFF  }
0x272: {  	_ =	shalt  }

</sc_bundles>
